<compile_context>
chip_gen: v7x
topology: tpu7x:2x2x1
jax: 0.10.2.dev20260603
libtpu: 0.0.44.dev20260713+nightly
codegen_flags: <defaults>
</compile_context>

<pallas_src>
import functools

import jax
import jax.numpy as jnp
from jax import lax
from jax.experimental import pallas as pl
from jax.experimental.pallas import tpu as pltpu
from jax.experimental.pallas import tpu_sc as plsc

N_NODES = 10000
N_PAD = 10240
D = 128
N_EDGES = 320000

NC = 2
NS = 16
NW = NC * NS
E_PER_W = N_EDGES // NW
CHUNK = 80
N_CHUNKS = E_PER_W // CHUNK
ROWS_PER_SUB = N_PAD // NS
ZROWS = 128


def _sc_agg_body(with_deg, x_hbm, src_hbm, dst_hbm, parts_hbm, degp_hbm,
                 src_v, dst_v, rows_v, zeros_v, ones_v, zdeg_v,
                 acc_sh, deg_sh, sem):
    cid = lax.axis_index("c")
    sid = lax.axis_index("s")
    wid = sid * NC + cid

    zvec = jnp.zeros((16,), jnp.float32)

    def _fill_zeros(r, _):
        for cc in range(D // 16):
            zeros_v[r, pl.ds(cc * 16, 16)] = zvec
        return 0
    lax.fori_loop(0, ZROWS, _fill_zeros, 0)
    for k in range(ROWS_PER_SUB // ZROWS):
        pltpu.sync_copy(zeros_v, acc_sh.at[pl.ds(sid * ROWS_PER_SUB + k * ZROWS, ZROWS)])

    if with_deg:
        def _fill_zdeg(r, _):
            zdeg_v[r, :] = zvec
            return 0
        lax.fori_loop(0, ROWS_PER_SUB, _fill_zdeg, 0)
        pltpu.sync_copy(zdeg_v, deg_sh.at[pl.ds(sid * ROWS_PER_SUB, ROWS_PER_SUB)])

        ovec = jnp.ones((16,), jnp.float32)
        def _fill_ones(r, _):
            ones_v[r, :] = ovec
            return 0
        lax.fori_loop(0, CHUNK, _fill_ones, 0)

    plsc.subcore_barrier()

    def _chunk(c, _):
        pltpu.sync_copy(src_hbm.at[wid, c], src_v)
        pltpu.sync_copy(dst_hbm.at[wid, c], dst_v)
        pltpu.async_copy(x_hbm.at[src_v], rows_v, sem).wait()
        pltpu.sync_copy(rows_v, acc_sh.at[dst_v], add=True)
        if with_deg:
            pltpu.sync_copy(ones_v, deg_sh.at[dst_v], add=True)
        return 0
    lax.fori_loop(0, N_CHUNKS, _chunk, 0)

    plsc.subcore_barrier()

    base = sid * ROWS_PER_SUB
    pltpu.sync_copy(acc_sh.at[pl.ds(base, ROWS_PER_SUB)],
                    parts_hbm.at[cid, pl.ds(base, ROWS_PER_SUB)])
    if with_deg:
        pltpu.sync_copy(deg_sh.at[pl.ds(base, ROWS_PER_SUB)],
                        degp_hbm.at[cid, pl.ds(base, ROWS_PER_SUB)])


def _make_sc_agg(with_deg):
    out_type = [jax.ShapeDtypeStruct((NC, N_PAD, D), jnp.float32)]
    if with_deg:
        out_type.append(jax.ShapeDtypeStruct((NC, N_PAD, 16), jnp.float32))
    scratch = [
        pltpu.VMEM((CHUNK,), jnp.int32),
        pltpu.VMEM((CHUNK,), jnp.int32),
        pltpu.VMEM((CHUNK, D), jnp.float32),
        pltpu.VMEM((ZROWS, D), jnp.float32),
        pltpu.VMEM((CHUNK, 16), jnp.float32),
        pltpu.VMEM((ROWS_PER_SUB, 16), jnp.float32),
        pltpu.VMEM_SHARED((N_PAD, D), jnp.float32),
        pltpu.VMEM_SHARED((N_PAD, 16), jnp.float32),
        pltpu.SemaphoreType.DMA,
    ]
    mesh = plsc.VectorSubcoreMesh(core_axis_name="c", subcore_axis_name="s")

    if with_deg:
        def body(x, src, dst, parts, degp, *scr):
            _sc_agg_body(True, x, src, dst, parts, degp, *scr)
    else:
        def body(x, src, dst, parts, *scr):
            _sc_agg_body(False, x, src, dst, parts, None, *scr)

    return pl.kernel(body, out_type=out_type, mesh=mesh, scratch_types=scratch,
                     compiler_params=pltpu.CompilerParams(use_tc_tiling_on_sc=False))


_sc_agg_deg = _make_sc_agg(True)
_sc_agg = _make_sc_agg(False)


def _tc_body(leaky, p_ref, degp_ref, x_ref, wl_ref, wr_ref, b_ref, o_ref):
    deg = degp_ref[0, :, 0:1] + degp_ref[1, :, 0:1]
    mean = (p_ref[0] + p_ref[1]) / jnp.maximum(deg, 1.0)
    acc = (jnp.dot(mean, wl_ref[...], preferred_element_type=jnp.float32,
                   precision=jax.lax.Precision.HIGHEST)
           + jnp.dot(x_ref[...], wr_ref[...], preferred_element_type=jnp.float32,
                     precision=jax.lax.Precision.HIGHEST)
           + b_ref[...])
    if leaky:
        acc = jnp.where(acc > 0, acc, 0.2 * acc)
    o_ref[...] = acc


_TC_ROWS = 1000


def _tc_layer(parts, degp, x, wlT, wrT, b2d, leaky):
    grid = (N_NODES // _TC_ROWS,)
    return pl.pallas_call(
        functools.partial(_tc_body, leaky),
        grid=grid,
        in_specs=[
            pl.BlockSpec((NC, _TC_ROWS, D), lambda i: (0, i, 0)),
            pl.BlockSpec((NC, _TC_ROWS, 16), lambda i: (0, i, 0)),
            pl.BlockSpec((_TC_ROWS, D), lambda i: (i, 0)),
            pl.BlockSpec((D, D), lambda i: (0, 0)),
            pl.BlockSpec((D, D), lambda i: (0, 0)),
            pl.BlockSpec((1, D), lambda i: (0, 0)),
        ],
        out_specs=pl.BlockSpec((_TC_ROWS, D), lambda i: (i, 0)),
        out_shape=jax.ShapeDtypeStruct((N_NODES, D), jnp.float32),
    )(parts, degp, x, wlT, wrT, b2d)


def kernel(x, edge_index, W1_l, b1_l, W1_r, W2_l, b2_l, W2_r):
    ei = edge_index.astype(jnp.int32)
    src = ei[0].reshape(NW, N_CHUNKS, CHUNK)
    dst = ei[1].reshape(NW, N_CHUNKS, CHUNK)

    parts1, degp = _sc_agg_deg(x, src, dst)
    h = _tc_layer(parts1, degp, x, W1_l.T, W1_r.T, b1_l.reshape(1, D), True)
    (parts2,) = _sc_agg(h, src, dst)
    out = _tc_layer(parts2, degp, h, W2_l.T, W2_r.T, b2_l.reshape(1, D), False)
    return out

# --- scband reference (transcript-rebuilt; emitter-appended) ---
"""Pipeline reference for scband-gnn-45707041964838 (READ-ONLY COPY).

The authoritative reference and input builder live on the scoring server;
editing this copy changes nothing except your own understanding.
"""

import jax, jax.numpy as jnp
import numpy as np

N_NODES = 10000
N_EDGES = 320000
D = 128


def _sage_conv(x, edge_index, W_l, b_l, W_r):
    # PyG SAGEConv (mean aggregation, default flags):
    # out = lin_l(mean_{j in N(i)} x_j) + lin_r(x_i)
    src = edge_index[0]
    dst = edge_index[1]
    msgs = jnp.take(x, src, axis=0)                                   # gather [E, d]
    summed = jax.ops.segment_sum(msgs, dst, num_segments=x.shape[0])  # scatter-add [N, d]
    deg = jax.ops.segment_sum(jnp.ones((msgs.shape[0],), dtype=x.dtype), dst,
                              num_segments=x.shape[0])
    mean = summed / jnp.clip(deg, 1.0, None)[:, None]
    return mean @ W_l.T + b_l + x @ W_r.T


def setup_inputs(seed: int = 0) -> dict:
    key = jax.random.key(seed)
    ks = jax.random.split(key, 8)
    x = jax.random.normal(ks[0], (N_NODES, D), dtype=jnp.float32)
    edge_index = jax.random.randint(ks[1], (2, N_EDGES), 0, N_NODES, dtype=jnp.int64)
    s = 1.0 / np.sqrt(D)
    W1_l = jax.random.uniform(ks[2], (D, D), jnp.float32, -s, s)
    b1_l = jnp.zeros((D,), dtype=jnp.float32)
    W1_r = jax.random.uniform(ks[3], (D, D), jnp.float32, -s, s)
    W2_l = jax.random.uniform(ks[4], (D, D), jnp.float32, -s, s)
    b2_l = jnp.zeros((D,), dtype=jnp.float32)
    W2_r = jax.random.uniform(ks[5], (D, D), jnp.float32, -s, s)
    return {"x": x, "edge_index": edge_index,
            "W1_l": W1_l, "b1_l": b1_l, "W1_r": W1_r,
            "W2_l": W2_l, "b2_l": b2_l, "W2_r": W2_r}


def reference(x, edge_index, W1_l, b1_l, W1_r, W2_l, b2_l, W2_r):
    h = _sage_conv(x, edge_index, W1_l, b1_l, W1_r)
    h = jnp.where(h > 0, h, 0.2 * h)  # leaky_relu(0.2)
    h = _sage_conv(h, edge_index, W2_l, b2_l, W2_r)
    return h

if __name__ == "__main__":
    import jax
    _d = setup_inputs()
    print(jax.jit(kernel)(*tuple(_d.values())))

</pallas_src>

<mosaic_0001>
#map = affine_map<(d0, d1) -> (0, 0)>
#map1 = affine_map<(d0, d1) -> (0, 0, 0)>
module attributes {stable_mosaic.version = 14 : i64} {
  func.func @body(%arg0: i32, %arg1: i32, %arg2: memref<10000x128xf32, #tpu.memory_space<hbm>>, %arg3: memref<32x125x80xi32, #tpu.memory_space<hbm>>, %arg4: memref<32x125x80xi32, #tpu.memory_space<hbm>>, %arg5: memref<2x10240x128xf32, #tpu.memory_space<hbm>>, %arg6: memref<2x10240x16xf32, #tpu.memory_space<hbm>>, %arg7: memref<80xi32, #tpu.memory_space<vmem>>, %arg8: memref<80xi32, #tpu.memory_space<vmem>>, %arg9: memref<80x128xf32, #tpu.memory_space<vmem>>, %arg10: memref<128x128xf32, #tpu.memory_space<vmem>>, %arg11: memref<80x16xf32, #tpu.memory_space<vmem>>, %arg12: memref<640x16xf32, #tpu.memory_space<vmem>>, %arg13: memref<10240x128xf32, #tpu.memory_space<vmem_shared>>, %arg14: memref<10240x16xf32, #tpu.memory_space<vmem_shared>>, %arg15: memref<!tpu.dma_semaphore, #tpu.memory_space<semaphore_mem>>) attributes {dimension_semantics = [#tpu.dimension_semantics<core_parallel>, #tpu.dimension_semantics<subcore_parallel>], iteration_bounds = array<i64: 2, 16>, scalar_prefetch = 0 : i64, scratch_operands = 9 : i64, tpu.core_type = #tpu.core_type<sc_vector_subcore>, window_params = [{transform_indices = #map}, {transform_indices = #map1}, {transform_indices = #map1}, {transform_indices = #map1}, {transform_indices = #map1}]} {
    %mul3A = arith.constant 2 : i32
    %mul3A_0 = arith.muli %arg1, %mul3A : i32
    %add3A = arith.addi %mul3A_0, %arg0 : i32
    %broadcast_in_dim3A = arith.constant 0.000000e+00 : f32
    %broadcast_in_dim3A_1 = vector.broadcast %broadcast_in_dim3A : f32 to vector<16xf32>
    %scan3A = arith.constant 0 : i32
    %scan3A_2 = arith.constant 0 : i32
    %scan3A_3 = arith.constant 128 : i32
    %scan3A_4 = arith.addi %scan3A_2, %scan3A_3 : i32
    %scan3A_5 = arith.constant 1 : i32
    %scan3A_6 = scf.for %scan3A_56 = %scan3A_2 to %scan3A_4 step %scan3A_5 iter_args(%scan3A_57 = %scan3A) -> (i32)  : i32 {
      %swap3A = arith.index_cast %scan3A_56 : i32 to index
      %swap3A_58 = arith.constant 0 : index
      %swap3A_59 = tpu.vector_load %arg10[%swap3A, %swap3A_58] {strides = array<i32>} : memref<128x128xf32, #tpu.memory_space<vmem>>, vector<1x16xf32>,
      %swap3A_60 = vector.shape_cast %swap3A_59 : vector<1x16xf32> to vector<16xf32>
      %swap3A_61 = vector.shape_cast %broadcast_in_dim3A_1 : vector<16xf32> to vector<1x16xf32>
      tpu.vector_store %arg10[%swap3A, %swap3A_58], %swap3A_61 {strides = array<i32>} : memref<128x128xf32, #tpu.memory_space<vmem>>, vector<1x16xf32>,
      %swap3A_62 = arith.index_cast %scan3A_56 : i32 to index
      %swap3A_63 = arith.constant 16 : index
      %swap3A_64 = tpu.vector_load %arg10[%swap3A_62, %swap3A_63] {strides = array<i32>} : memref<128x128xf32, #tpu.memory_space<vmem>>, vector<1x16xf32>,
      %swap3A_65 = vector.shape_cast %swap3A_64 : vector<1x16xf32> to vector<16xf32>
      %swap3A_66 = vector.shape_cast %broadcast_in_dim3A_1 : vector<16xf32> to vector<1x16xf32>
      tpu.vector_store %arg10[%swap3A_62, %swap3A_63], %swap3A_66 {strides = array<i32>} : memref<128x128xf32, #tpu.memory_space<vmem>>, vector<1x16xf32>,
      %swap3A_67 = arith.index_cast %scan3A_56 : i32 to index
      %swap3A_68 = arith.constant 32 : index
      %swap3A_69 = tpu.vector_load %arg10[%swap3A_67, %swap3A_68] {strides = array<i32>} : memref<128x128xf32, #tpu.memory_space<vmem>>, vector<1x16xf32>,
      %swap3A_70 = vector.shape_cast %swap3A_69 : vector<1x16xf32> to vector<16xf32>
      %swap3A_71 = vector.shape_cast %broadcast_in_dim3A_1 : vector<16xf32> to vector<1x16xf32>
      tpu.vector_store %arg10[%swap3A_67, %swap3A_68], %swap3A_71 {strides = array<i32>} : memref<128x128xf32, #tpu.memory_space<vmem>>, vector<1x16xf32>,
      %swap3A_72 = arith.index_cast %scan3A_56 : i32 to index
      %swap3A_73 = arith.constant 48 : index
      %swap3A_74 = tpu.vector_load %arg10[%swap3A_72, %swap3A_73] {strides = array<i32>} : memref<128x128xf32, #tpu.memory_space<vmem>>, vector<1x16xf32>,
      %swap3A_75 = vector.shape_cast %swap3A_74 : vector<1x16xf32> to vector<16xf32>
      %swap3A_76 = vector.shape_cast %broadcast_in_dim3A_1 : vector<16xf32> to vector<1x16xf32>
      tpu.vector_store %arg10[%swap3A_72, %swap3A_73], %swap3A_76 {strides = array<i32>} : memref<128x128xf32, #tpu.memory_space<vmem>>, vector<1x16xf32>,
      %swap3A_77 = arith.index_cast %scan3A_56 : i32 to index
      %swap3A_78 = arith.constant 64 : index
      %swap3A_79 = tpu.vector_load %arg10[%swap3A_77, %swap3A_78] {strides = array<i32>} : memref<128x128xf32, #tpu.memory_space<vmem>>, vector<1x16xf32>,
      %swap3A_80 = vector.shape_cast %swap3A_79 : vector<1x16xf32> to vector<16xf32>
      %swap3A_81 = vector.shape_cast %broadcast_in_dim3A_1 : vector<16xf32> to vector<1x16xf32>
      tpu.vector_store %arg10[%swap3A_77, %swap3A_78], %swap3A_81 {strides = array<i32>} : memref<128x128xf32, #tpu.memory_space<vmem>>, vector<1x16xf32>,
      %swap3A_82 = arith.index_cast %scan3A_56 : i32 to index
      %swap3A_83 = arith.constant 80 : index
      %swap3A_84 = tpu.vector_load %arg10[%swap3A_82, %swap3A_83] {strides = array<i32>} : memref<128x128xf32, #tpu.memory_space<vmem>>, vector<1x16xf32>,
      %swap3A_85 = vector.shape_cast %swap3A_84 : vector<1x16xf32> to vector<16xf32>
      %swap3A_86 = vector.shape_cast %broadcast_in_dim3A_1 : vector<16xf32> to vector<1x16xf32>
      tpu.vector_store %arg10[%swap3A_82, %swap3A_83], %swap3A_86 {strides = array<i32>} : memref<128x128xf32, #tpu.memory_space<vmem>>, vector<1x16xf32>,
      %swap3A_87 = arith.index_cast %scan3A_56 : i32 to index
      %swap3A_88 = arith.constant 96 : index
      %swap3A_89 = tpu.vector_load %arg10[%swap3A_87, %swap3A_88] {strides = array<i32>} : memref<128x128xf32, #tpu.memory_space<vmem>>, vector<1x16xf32>,
      %swap3A_90 = vector.shape_cast %swap3A_89 : vector<1x16xf32> to vector<16xf32>
      %swap3A_91 = vector.shape_cast %broadcast_in_dim3A_1 : vector<16xf32> to vector<1x16xf32>
      tpu.vector_store %arg10[%swap3A_87, %swap3A_88], %swap3A_91 {strides = array<i32>} : memref<128x128xf32, #tpu.memory_space<vmem>>, vector<1x16xf32>,
      %swap3A_92 = arith.index_cast %scan3A_56 : i32 to index
      %swap3A_93 = arith.constant 112 : index
      %swap3A_94 = tpu.vector_load %arg10[%swap3A_92, %swap3A_93] {strides = array<i32>} : memref<128x128xf32, #tpu.memory_space<vmem>>, vector<1x16xf32>,
      %swap3A_95 = vector.shape_cast %swap3A_94 : vector<1x16xf32> to vector<16xf32>
      %swap3A_96 = vector.shape_cast %broadcast_in_dim3A_1 : vector<16xf32> to vector<1x16xf32>
      tpu.vector_store %arg10[%swap3A_92, %swap3A_93], %swap3A_96 {strides = array<i32>} : memref<128x128xf32, #tpu.memory_space<vmem>>, vector<1x16xf32>,
      %scan3A_97 = arith.constant 0 : i32
      scf.yield %scan3A_97 : i32
    }
    %scan3A_7 = arith.constant 128 : i32
    %mul3A_8 = arith.constant 640 : i32
    %mul3A_9 = arith.muli %arg1, %mul3A_8 : i32
    %add3A_10 = arith.constant 0 : i32
    %add3A_11 = arith.addi %mul3A_9, %add3A_10 : i32
    "tpu.region"() ({
      %run_scoped3A = tpu.sem_alloc : memref<!tpu.dma_semaphore, #tpu.memory_space<semaphore_mem>>
      %dma_start3A = arith.constant 0 : i32
      %dma_start3A_56 = tpu.memref_slice %arg13[%add3A_11, %dma_start3A] : memref<10240x128xf32, #tpu.memory_space<vmem_shared>> -> memref<128x128xf32, #tpu.memory_space<vmem_shared>>
      %dma_start3A_57 = arith.constant 0 : i32
      %dma_start3A_58 = tpu.memref_slice %arg13[%add3A_11, %dma_start3A_57] : memref<10240x128xf32, #tpu.memory_space<vmem_shared>> -> memref<128x128xf32, #tpu.memory_space<vmem_shared>>
      tpu.enqueue_dma source(%arg10 : memref<128x128xf32, #tpu.memory_space<vmem>>) target(%dma_start3A_58 : memref<128x128xf32, #tpu.memory_space<vmem_shared>>) target_semaphore(%run_scoped3A : memref<!tpu.dma_semaphore, #tpu.memory_space<semaphore_mem>>)
      %dma_wait3A = arith.constant 0 : i32
      %dma_wait3A_59 = tpu.memref_slice %arg13[%add3A_11, %dma_wait3A] : memref<10240x128xf32, #tpu.memory_space<vmem_shared>> -> memref<128x128xf32, #tpu.memory_space<vmem_shared>>
      %dma_wait3A_60 = arith.constant 0 : i32
      %dma_wait3A_61 = tpu.memref_slice %arg13[%add3A_11, %dma_wait3A_60] : memref<10240x128xf32, #tpu.memory_space<vmem_shared>> -> memref<128x128xf32, #tpu.memory_space<vmem_shared>>
      tpu.wait_dma2 semaphore(%run_scoped3A : memref<!tpu.dma_semaphore, #tpu.memory_space<semaphore_mem>>) src(%arg10 : memref<128x128xf32, #tpu.memory_space<vmem>>) dst(%dma_wait3A_61 : memref<128x128xf32, #tpu.memory_space<vmem_shared>>)
      tpu.yield
    }) : () -> ()
    %mul3A_12 = arith.constant 640 : i32
    %mul3A_13 = arith.muli %arg1, %mul3A_12 : i32
    %add3A_14 = arith.constant 128 : i32
    %add3A_15 = arith.addi %mul3A_13, %add3A_14 : i32
    "tpu.region"() ({
      %run_scoped3A = tpu.sem_alloc : memref<!tpu.dma_semaphore, #tpu.memory_space<semaphore_mem>>
      %dma_start3A = arith.constant 0 : i32
      %dma_start3A_56 = tpu.memref_slice %arg13[%add3A_15, %dma_start3A] : memref<10240x128xf32, #tpu.memory_space<vmem_shared>> -> memref<128x128xf32, #tpu.memory_space<vmem_shared>>
      %dma_start3A_57 = arith.constant 0 : i32
      %dma_start3A_58 = tpu.memref_slice %arg13[%add3A_15, %dma_start3A_57] : memref<10240x128xf32, #tpu.memory_space<vmem_shared>> -> memref<128x128xf32, #tpu.memory_space<vmem_shared>>
      tpu.enqueue_dma source(%arg10 : memref<128x128xf32, #tpu.memory_space<vmem>>) target(%dma_start3A_58 : memref<128x128xf32, #tpu.memory_space<vmem_shared>>) target_semaphore(%run_scoped3A : memref<!tpu.dma_semaphore, #tpu.memory_space<semaphore_mem>>)
      %dma_wait3A = arith.constant 0 : i32
      %dma_wait3A_59 = tpu.memref_slice %arg13[%add3A_15, %dma_wait3A] : memref<10240x128xf32, #tpu.memory_space<vmem_shared>> -> memref<128x128xf32, #tpu.memory_space<vmem_shared>>
      %dma_wait3A_60 = arith.constant 0 : i32
      %dma_wait3A_61 = tpu.memref_slice %arg13[%add3A_15, %dma_wait3A_60] : memref<10240x128xf32, #tpu.memory_space<vmem_shared>> -> memref<128x128xf32, #tpu.memory_space<vmem_shared>>
      tpu.wait_dma2 semaphore(%run_scoped3A : memref<!tpu.dma_semaphore, #tpu.memory_space<semaphore_mem>>) src(%arg10 : memref<128x128xf32, #tpu.memory_space<vmem>>) dst(%dma_wait3A_61 : memref<128x128xf32, #tpu.memory_space<vmem_shared>>)
      tpu.yield
    }) : () -> ()
    %mul3A_16 = arith.constant 640 : i32
    %mul3A_17 = arith.muli %arg1, %mul3A_16 : i32
    %add3A_18 = arith.constant 256 : i32
    %add3A_19 = arith.addi %mul3A_17, %add3A_18 : i32
    "tpu.region"() ({
      %run_scoped3A = tpu.sem_alloc : memref<!tpu.dma_semaphore, #tpu.memory_space<semaphore_mem>>
      %dma_start3A = arith.constant 0 : i32
      %dma_start3A_56 = tpu.memref_slice %arg13[%add3A_19, %dma_start3A] : memref<10240x128xf32, #tpu.memory_space<vmem_shared>> -> memref<128x128xf32, #tpu.memory_space<vmem_shared>>
      %dma_start3A_57 = arith.constant 0 : i32
      %dma_start3A_58 = tpu.memref_slice %arg13[%add3A_19, %dma_start3A_57] : memref<10240x128xf32, #tpu.memory_space<vmem_shared>> -> memref<128x128xf32, #tpu.memory_space<vmem_shared>>
      tpu.enqueue_dma source(%arg10 : memref<128x128xf32, #tpu.memory_space<vmem>>) target(%dma_start3A_58 : memref<128x128xf32, #tpu.memory_space<vmem_shared>>) target_semaphore(%run_scoped3A : memref<!tpu.dma_semaphore, #tpu.memory_space<semaphore_mem>>)
      %dma_wait3A = arith.constant 0 : i32
      %dma_wait3A_59 = tpu.memref_slice %arg13[%add3A_19, %dma_wait3A] : memref<10240x128xf32, #tpu.memory_space<vmem_shared>> -> memref<128x128xf32, #tpu.memory_space<vmem_shared>>
      %dma_wait3A_60 = arith.constant 0 : i32
      %dma_wait3A_61 = tpu.memref_slice %arg13[%add3A_19, %dma_wait3A_60] : memref<10240x128xf32, #tpu.memory_space<vmem_shared>> -> memref<128x128xf32, #tpu.memory_space<vmem_shared>>
      tpu.wait_dma2 semaphore(%run_scoped3A : memref<!tpu.dma_semaphore, #tpu.memory_space<semaphore_mem>>) src(%arg10 : memref<128x128xf32, #tpu.memory_space<vmem>>) dst(%dma_wait3A_61 : memref<128x128xf32, #tpu.memory_space<vmem_shared>>)
      tpu.yield
    }) : () -> ()
    %mul3A_20 = arith.constant 640 : i32
    %mul3A_21 = arith.muli %arg1, %mul3A_20 : i32
    %add3A_22 = arith.constant 384 : i32
    %add3A_23 = arith.addi %mul3A_21, %add3A_22 : i32
    "tpu.region"() ({
      %run_scoped3A = tpu.sem_alloc : memref<!tpu.dma_semaphore, #tpu.memory_space<semaphore_mem>>
      %dma_start3A = arith.constant 0 : i32
      %dma_start3A_56 = tpu.memref_slice %arg13[%add3A_23, %dma_start3A] : memref<10240x128xf32, #tpu.memory_space<vmem_shared>> -> memref<128x128xf32, #tpu.memory_space<vmem_shared>>
      %dma_start3A_57 = arith.constant 0 : i32
      %dma_start3A_58 = tpu.memref_slice %arg13[%add3A_23, %dma_start3A_57] : memref<10240x128xf32, #tpu.memory_space<vmem_shared>> -> memref<128x128xf32, #tpu.memory_space<vmem_shared>>
      tpu.enqueue_dma source(%arg10 : memref<128x128xf32, #tpu.memory_space<vmem>>) target(%dma_start3A_58 : memref<128x128xf32, #tpu.memory_space<vmem_shared>>) target_semaphore(%run_scoped3A : memref<!tpu.dma_semaphore, #tpu.memory_space<semaphore_mem>>)
      %dma_wait3A = arith.constant 0 : i32
      %dma_wait3A_59 = tpu.memref_slice %arg13[%add3A_23, %dma_wait3A] : memref<10240x128xf32, #tpu.memory_space<vmem_shared>> -> memref<128x128xf32, #tpu.memory_space<vmem_shared>>
      %dma_wait3A_60 = arith.constant 0 : i32
      %dma_wait3A_61 = tpu.memref_slice %arg13[%add3A_23, %dma_wait3A_60] : memref<10240x128xf32, #tpu.memory_space<vmem_shared>> -> memref<128x128xf32, #tpu.memory_space<vmem_shared>>
      tpu.wait_dma2 semaphore(%run_scoped3A : memref<!tpu.dma_semaphore, #tpu.memory_space<semaphore_mem>>) src(%arg10 : memref<128x128xf32, #tpu.memory_space<vmem>>) dst(%dma_wait3A_61 : memref<128x128xf32, #tpu.memory_space<vmem_shared>>)
      tpu.yield
    }) : () -> ()
    %mul3A_24 = arith.constant 640 : i32
    %mul3A_25 = arith.muli %arg1, %mul3A_24 : i32
    %add3A_26 = arith.constant 512 : i32
    %add3A_27 = arith.addi %mul3A_25, %add3A_26 : i32
    "tpu.region"() ({
      %run_scoped3A = tpu.sem_alloc : memref<!tpu.dma_semaphore, #tpu.memory_space<semaphore_mem>>
      %dma_start3A = arith.constant 0 : i32
      %dma_start3A_56 = tpu.memref_slice %arg13[%add3A_27, %dma_start3A] : memref<10240x128xf32, #tpu.memory_space<vmem_shared>> -> memref<128x128xf32, #tpu.memory_space<vmem_shared>>
      %dma_start3A_57 = arith.constant 0 : i32
      %dma_start3A_58 = tpu.memref_slice %arg13[%add3A_27, %dma_start3A_57] : memref<10240x128xf32, #tpu.memory_space<vmem_shared>> -> memref<128x128xf32, #tpu.memory_space<vmem_shared>>
      tpu.enqueue_dma source(%arg10 : memref<128x128xf32, #tpu.memory_space<vmem>>) target(%dma_start3A_58 : memref<128x128xf32, #tpu.memory_space<vmem_shared>>) target_semaphore(%run_scoped3A : memref<!tpu.dma_semaphore, #tpu.memory_space<semaphore_mem>>)
      %dma_wait3A = arith.constant 0 : i32
      %dma_wait3A_59 = tpu.memref_slice %arg13[%add3A_27, %dma_wait3A] : memref<10240x128xf32, #tpu.memory_space<vmem_shared>> -> memref<128x128xf32, #tpu.memory_space<vmem_shared>>
      %dma_wait3A_60 = arith.constant 0 : i32
      %dma_wait3A_61 = tpu.memref_slice %arg13[%add3A_27, %dma_wait3A_60] : memref<10240x128xf32, #tpu.memory_space<vmem_shared>> -> memref<128x128xf32, #tpu.memory_space<vmem_shared>>
      tpu.wait_dma2 semaphore(%run_scoped3A : memref<!tpu.dma_semaphore, #tpu.memory_space<semaphore_mem>>) src(%arg10 : memref<128x128xf32, #tpu.memory_space<vmem>>) dst(%dma_wait3A_61 : memref<128x128xf32, #tpu.memory_space<vmem_shared>>)
      tpu.yield
    }) : () -> ()
    %scan3A_28 = arith.constant 0 : i32
    %scan3A_29 = arith.constant 0 : i32
    %scan3A_30 = arith.constant 640 : i32
    %scan3A_31 = arith.addi %scan3A_29, %scan3A_30 : i32
    %scan3A_32 = arith.constant 1 : i32
    %scan3A_33 = scf.for %scan3A_56 = %scan3A_29 to %scan3A_31 step %scan3A_32 iter_args(%scan3A_57 = %scan3A_28) -> (i32)  : i32 {
      %swap3A = arith.index_cast %scan3A_56 : i32 to index
      %swap3A_58 = arith.constant 0 : index
      %swap3A_59 = tpu.vector_load %arg12[%swap3A, %swap3A_58] {strides = array<i32>} : memref<640x16xf32, #tpu.memory_space<vmem>>, vector<1x16xf32>,
      %swap3A_60 = vector.shape_cast %swap3A_59 : vector<1x16xf32> to vector<16xf32>
      %swap3A_61 = vector.shape_cast %broadcast_in_dim3A_1 : vector<16xf32> to vector<1x16xf32>
      tpu.vector_store %arg12[%swap3A, %swap3A_58], %swap3A_61 {strides = array<i32>} : memref<640x16xf32, #tpu.memory_space<vmem>>, vector<1x16xf32>,
      %scan3A_62 = arith.constant 0 : i32
      scf.yield %scan3A_62 : i32
    }
    %scan3A_34 = arith.constant 640 : i32
    %mul3A_35 = arith.constant 640 : i32
    %mul3A_36 = arith.muli %arg1, %mul3A_35 : i32
    "tpu.region"() ({
      %run_scoped3A = tpu.sem_alloc : memref<!tpu.dma_semaphore, #tpu.memory_space<semaphore_mem>>
      %dma_start3A = arith.constant 0 : i32
      %dma_start3A_56 = tpu.memref_slice %arg14[%mul3A_36, %dma_start3A] : memref<10240x16xf32, #tpu.memory_space<vmem_shared>> -> memref<640x16xf32, #tpu.memory_space<vmem_shared>>
      %dma_start3A_57 = arith.constant 0 : i32
      %dma_start3A_58 = tpu.memref_slice %arg14[%mul3A_36, %dma_start3A_57] : memref<10240x16xf32, #tpu.memory_space<vmem_shared>> -> memref<640x16xf32, #tpu.memory_space<vmem_shared>>
      tpu.enqueue_dma source(%arg12 : memref<640x16xf32, #tpu.memory_space<vmem>>) target(%dma_start3A_58 : memref<640x16xf32, #tpu.memory_space<vmem_shared>>) target_semaphore(%run_scoped3A : memref<!tpu.dma_semaphore, #tpu.memory_space<semaphore_mem>>)
      %dma_wait3A = arith.constant 0 : i32
      %dma_wait3A_59 = tpu.memref_slice %arg14[%mul3A_36, %dma_wait3A] : memref<10240x16xf32, #tpu.memory_space<vmem_shared>> -> memref<640x16xf32, #tpu.memory_space<vmem_shared>>
      %dma_wait3A_60 = arith.constant 0 : i32
      %dma_wait3A_61 = tpu.memref_slice %arg14[%mul3A_36, %dma_wait3A_60] : memref<10240x16xf32, #tpu.memory_space<vmem_shared>> -> memref<640x16xf32, #tpu.memory_space<vmem_shared>>
      tpu.wait_dma2 semaphore(%run_scoped3A : memref<!tpu.dma_semaphore, #tpu.memory_space<semaphore_mem>>) src(%arg12 : memref<640x16xf32, #tpu.memory_space<vmem>>) dst(%dma_wait3A_61 : memref<640x16xf32, #tpu.memory_space<vmem_shared>>)
      tpu.yield
    }) : () -> ()
    %broadcast_in_dim3A_37 = arith.constant 1.000000e+00 : f32
    %broadcast_in_dim3A_38 = vector.broadcast %broadcast_in_dim3A_37 : f32 to vector<16xf32>
    %scan3A_39 = arith.constant 0 : i32
    %scan3A_40 = arith.constant 0 : i32
    %scan3A_41 = arith.constant 80 : i32
    %scan3A_42 = arith.addi %scan3A_40, %scan3A_41 : i32
    %scan3A_43 = arith.constant 1 : i32
    %scan3A_44 = scf.for %scan3A_56 = %scan3A_40 to %scan3A_42 step %scan3A_43 iter_args(%scan3A_57 = %scan3A_39) -> (i32)  : i32 {
      %swap3A = arith.index_cast %scan3A_56 : i32 to index
      %swap3A_58 = arith.constant 0 : index
      %swap3A_59 = tpu.vector_load %arg11[%swap3A, %swap3A_58] {strides = array<i32>} : memref<80x16xf32, #tpu.memory_space<vmem>>, vector<1x16xf32>,
      %swap3A_60 = vector.shape_cast %swap3A_59 : vector<1x16xf32> to vector<16xf32>
      %swap3A_61 = vector.shape_cast %broadcast_in_dim3A_38 : vector<16xf32> to vector<1x16xf32>
      tpu.vector_store %arg11[%swap3A, %swap3A_58], %swap3A_61 {strides = array<i32>} : memref<80x16xf32, #tpu.memory_space<vmem>>, vector<1x16xf32>,
      %scan3A_62 = arith.constant 0 : i32
      scf.yield %scan3A_62 : i32
    }
    %scan3A_45 = arith.constant 80 : i32
    %barrier3A = arith.constant 0 : index
    tpu.barrier barrier_id(%barrier3A)
    %scan3A_46 = arith.constant 0 : i32
    %scan3A_47 = arith.constant 0 : i32
    %scan3A_48 = arith.constant 125 : i32
    %scan3A_49 = arith.addi %scan3A_47, %scan3A_48 : i32
    %scan3A_50 = arith.constant 1 : i32
    %scan3A_51 = scf.for %scan3A_56 = %scan3A_47 to %scan3A_49 step %scan3A_50 iter_args(%scan3A_57 = %scan3A_46) -> (i32)  : i32 {
      "tpu.region"() ({
        %run_scoped3A = tpu.sem_alloc : memref<!tpu.dma_semaphore, #tpu.memory_space<semaphore_mem>>
        %dma_start3A_63 = arith.constant 0 : i32
        %dma_start3A_64 = tpu.memref_slice %arg3[%add3A, %scan3A_56, %dma_start3A_63] : memref<32x125x80xi32, #tpu.memory_space<hbm>> -> memref<1x1x80xi32, #tpu.memory_space<hbm>>
        %dma_start3A_65 = tpu.memref_squeeze %dma_start3A_64 : memref<1x1x80xi32, #tpu.memory_space<hbm>> -> memref<80xi32, #tpu.memory_space<hbm>>
        %dma_start3A_66 = arith.constant 0 : i32
        %dma_start3A_67 = tpu.memref_slice %arg3[%add3A, %scan3A_56, %dma_start3A_66] : memref<32x125x80xi32, #tpu.memory_space<hbm>> -> memref<1x1x80xi32, #tpu.memory_space<hbm>>
        %dma_start3A_68 = tpu.memref_squeeze %dma_start3A_67 : memref<1x1x80xi32, #tpu.memory_space<hbm>> -> memref<80xi32, #tpu.memory_space<hbm>>
        tpu.enqueue_dma source(%dma_start3A_68 : memref<80xi32, #tpu.memory_space<hbm>>) target(%arg7 : memref<80xi32, #tpu.memory_space<vmem>>) target_semaphore(%run_scoped3A : memref<!tpu.dma_semaphore, #tpu.memory_space<semaphore_mem>>)
        %dma_wait3A_69 = arith.constant 0 : i32
        %dma_wait3A_70 = tpu.memref_slice %arg3[%add3A, %scan3A_56, %dma_wait3A_69] : memref<32x125x80xi32, #tpu.memory_space<hbm>> -> memref<1x1x80xi32, #tpu.memory_space<hbm>>
        %dma_wait3A_71 = tpu.memref_squeeze %dma_wait3A_70 : memref<1x1x80xi32, #tpu.memory_space<hbm>> -> memref<80xi32, #tpu.memory_space<hbm>>
        %dma_wait3A_72 = arith.constant 0 : i32
        %dma_wait3A_73 = tpu.memref_slice %arg3[%add3A, %scan3A_56, %dma_wait3A_72] : memref<32x125x80xi32, #tpu.memory_space<hbm>> -> memref<1x1x80xi32, #tpu.memory_space<hbm>>
        %dma_wait3A_74 = tpu.memref_squeeze %dma_wait3A_73 : memref<1x1x80xi32, #tpu.memory_space<hbm>> -> memref<80xi32, #tpu.memory_space<hbm>>
        tpu.wait_dma2 semaphore(%run_scoped3A : memref<!tpu.dma_semaphore, #tpu.memory_space<semaphore_mem>>) src(%dma_wait3A_74 : memref<80xi32, #tpu.memory_space<hbm>>) dst(%arg7 : memref<80xi32, #tpu.memory_space<vmem>>)
        tpu.yield
      }) : () -> ()
      "tpu.region"() ({
        %run_scoped3A = tpu.sem_alloc : memref<!tpu.dma_semaphore, #tpu.memory_space<semaphore_mem>>
        %dma_start3A_63 = arith.constant 0 : i32
        %dma_start3A_64 = tpu.memref_slice %arg4[%add3A, %scan3A_56, %dma_start3A_63] : memref<32x125x80xi32, #tpu.memory_space<hbm>> -> memref<1x1x80xi32, #tpu.memory_space<hbm>>
        %dma_start3A_65 = tpu.memref_squeeze %dma_start3A_64 : memref<1x1x80xi32, #tpu.memory_space<hbm>> -> memref<80xi32, #tpu.memory_space<hbm>>
        %dma_start3A_66 = arith.constant 0 : i32
        %dma_start3A_67 = tpu.memref_slice %arg4[%add3A, %scan3A_56, %dma_start3A_66] : memref<32x125x80xi32, #tpu.memory_space<hbm>> -> memref<1x1x80xi32, #tpu.memory_space<hbm>>
        %dma_start3A_68 = tpu.memref_squeeze %dma_start3A_67 : memref<1x1x80xi32, #tpu.memory_space<hbm>> -> memref<80xi32, #tpu.memory_space<hbm>>
        tpu.enqueue_dma source(%dma_start3A_68 : memref<80xi32, #tpu.memory_space<hbm>>) target(%arg8 : memref<80xi32, #tpu.memory_space<vmem>>) target_semaphore(%run_scoped3A : memref<!tpu.dma_semaphore, #tpu.memory_space<semaphore_mem>>)
        %dma_wait3A_69 = arith.constant 0 : i32
        %dma_wait3A_70 = tpu.memref_slice %arg4[%add3A, %scan3A_56, %dma_wait3A_69] : memref<32x125x80xi32, #tpu.memory_space<hbm>> -> memref<1x1x80xi32, #tpu.memory_space<hbm>>
        %dma_wait3A_71 = tpu.memref_squeeze %dma_wait3A_70 : memref<1x1x80xi32, #tpu.memory_space<hbm>> -> memref<80xi32, #tpu.memory_space<hbm>>
        %dma_wait3A_72 = arith.constant 0 : i32
        %dma_wait3A_73 = tpu.memref_slice %arg4[%add3A, %scan3A_56, %dma_wait3A_72] : memref<32x125x80xi32, #tpu.memory_space<hbm>> -> memref<1x1x80xi32, #tpu.memory_space<hbm>>
        %dma_wait3A_74 = tpu.memref_squeeze %dma_wait3A_73 : memref<1x1x80xi32, #tpu.memory_space<hbm>> -> memref<80xi32, #tpu.memory_space<hbm>>
        tpu.wait_dma2 semaphore(%run_scoped3A : memref<!tpu.dma_semaphore, #tpu.memory_space<semaphore_mem>>) src(%dma_wait3A_74 : memref<80xi32, #tpu.memory_space<hbm>>) dst(%arg8 : memref<80xi32, #tpu.memory_space<vmem>>)
        tpu.yield
      }) : () -> ()
      %dma_start3A = arith.constant 0 : i32
      %dma_start3A_58 = arith.constant 0 : i32
      %dma_start3A_59 = tpu.memref_slice %arg2[%dma_start3A, %dma_start3A_58] : memref<10000x128xf32, #tpu.memory_space<hbm>> -> memref<10000x128xf32, #tpu.memory_space<hbm>>
      tpu.enqueue_indirect_dma source(%dma_start3A_59 : memref<10000x128xf32, #tpu.memory_space<hbm>>) target(%arg9 : memref<80x128xf32, #tpu.memory_space<vmem>>) offsets(%arg7 : memref<80xi32, #tpu.memory_space<vmem>>) semaphore(%arg15 : memref<!tpu.dma_semaphore, #tpu.memory_space<semaphore_mem>>)
      %dma_wait3A = arith.constant 0 : i32
      %dma_wait3A_60 = arith.constant 0 : i32
      %dma_wait3A_61 = tpu.memref_slice %arg2[%dma_wait3A, %dma_wait3A_60] : memref<10000x128xf32, #tpu.memory_space<hbm>> -> memref<10000x128xf32, #tpu.memory_space<hbm>>
      tpu.wait_indirect_dma semaphore(%arg15 : memref<!tpu.dma_semaphore, #tpu.memory_space<semaphore_mem>>) src(%dma_wait3A_61 : memref<10000x128xf32, #tpu.memory_space<hbm>>) dst(%arg9 : memref<80x128xf32, #tpu.memory_space<vmem>>)
      "tpu.region"() ({
        %run_scoped3A = tpu.sem_alloc : memref<!tpu.dma_semaphore, #tpu.memory_space<semaphore_mem>>
        %dma_start3A_63 = arith.constant 0 : i32
        %dma_start3A_64 = arith.constant 0 : i32
        %dma_start3A_65 = tpu.memref_slice %arg13[%dma_start3A_63, %dma_start3A_64] : memref<10240x128xf32, #tpu.memory_space<vmem_shared>> -> memref<10240x128xf32, #tpu.memory_space<vmem_shared>>
        tpu.enqueue_indirect_dma source(%arg9 : memref<80x128xf32, #tpu.memory_space<vmem>>) target(%dma_start3A_65 : memref<10240x128xf32, #tpu.memory_space<vmem_shared>>) offsets(%arg8 : memref<80xi32, #tpu.memory_space<vmem>>) semaphore(%run_scoped3A : memref<!tpu.dma_semaphore, #tpu.memory_space<semaphore_mem>>) {add = true}
        %dma_wait3A_66 = arith.constant 0 : i32
        %dma_wait3A_67 = arith.constant 0 : i32
        %dma_wait3A_68 = tpu.memref_slice %arg13[%dma_wait3A_66, %dma_wait3A_67] : memref<10240x128xf32, #tpu.memory_space<vmem_shared>> -> memref<10240x128xf32, #tpu.memory_space<vmem_shared>>
        tpu.wait_indirect_dma semaphore(%run_scoped3A : memref<!tpu.dma_semaphore, #tpu.memory_space<semaphore_mem>>) src(%arg9 : memref<80x128xf32, #tpu.memory_space<vmem>>) dst(%dma_wait3A_68 : memref<10240x128xf32, #tpu.memory_space<vmem_shared>>)
        tpu.yield
      }) : () -> ()
      "tpu.region"() ({
        %run_scoped3A = tpu.sem_alloc : memref<!tpu.dma_semaphore, #tpu.memory_space<semaphore_mem>>
        %dma_start3A_63 = arith.constant 0 : i32
        %dma_start3A_64 = arith.constant 0 : i32
        %dma_start3A_65 = tpu.memref_slice %arg14[%dma_start3A_63, %dma_start3A_64] : memref<10240x16xf32, #tpu.memory_space<vmem_shared>> -> memref<10240x16xf32, #tpu.memory_space<vmem_shared>>
        tpu.enqueue_indirect_dma source(%arg11 : memref<80x16xf32, #tpu.memory_space<vmem>>) target(%dma_start3A_65 : memref<10240x16xf32, #tpu.memory_space<vmem_shared>>) offsets(%arg8 : memref<80xi32, #tpu.memory_space<vmem>>) semaphore(%run_scoped3A : memref<!tpu.dma_semaphore, #tpu.memory_space<semaphore_mem>>) {add = true}
        %dma_wait3A_66 = arith.constant 0 : i32
        %dma_wait3A_67 = arith.constant 0 : i32
        %dma_wait3A_68 = tpu.memref_slice %arg14[%dma_wait3A_66, %dma_wait3A_67] : memref<10240x16xf32, #tpu.memory_space<vmem_shared>> -> memref<10240x16xf32, #tpu.memory_space<vmem_shared>>
        tpu.wait_indirect_dma semaphore(%run_scoped3A : memref<!tpu.dma_semaphore, #tpu.memory_space<semaphore_mem>>) src(%arg11 : memref<80x16xf32, #tpu.memory_space<vmem>>) dst(%dma_wait3A_68 : memref<10240x16xf32, #tpu.memory_space<vmem_shared>>)
        tpu.yield
      }) : () -> ()
      %scan3A_62 = arith.constant 0 : i32
      scf.yield %scan3A_62 : i32
    }
    %scan3A_52 = arith.constant 125 : i32
    %barrier3A_53 = arith.constant 0 : index
    tpu.barrier barrier_id(%barrier3A_53)
    %mul3A_54 = arith.constant 640 : i32
    %mul3A_55 = arith.muli %arg1, %mul3A_54 : i32
    "tpu.region"() ({
      %run_scoped3A = tpu.sem_alloc : memref<!tpu.dma_semaphore, #tpu.memory_space<semaphore_mem>>
      %dma_start3A = arith.constant 0 : i32
      %dma_start3A_56 = tpu.memref_slice %arg5[%arg0, %mul3A_55, %dma_start3A] : memref<2x10240x128xf32, #tpu.memory_space<hbm>> -> memref<1x640x128xf32, #tpu.memory_space<hbm>>
      %dma_start3A_57 = tpu.memref_squeeze %dma_start3A_56 : memref<1x640x128xf32, #tpu.memory_space<hbm>> -> memref<640x128xf32, #tpu.memory_space<hbm>>
      %dma_start3A_58 = arith.constant 0 : i32
      %dma_start3A_59 = tpu.memref_slice %arg13[%mul3A_55, %dma_start3A_58] : memref<10240x128xf32, #tpu.memory_space<vmem_shared>> -> memref<640x128xf32, #tpu.memory_space<vmem_shared>>
      tpu.enqueue_dma source(%dma_start3A_59 : memref<640x128xf32, #tpu.memory_space<vmem_shared>>) target(%dma_start3A_57 : memref<640x128xf32, #tpu.memory_space<hbm>>) target_semaphore(%run_scoped3A : memref<!tpu.dma_semaphore, #tpu.memory_space<semaphore_mem>>)
      %dma_wait3A = arith.constant 0 : i32
      %dma_wait3A_60 = tpu.memref_slice %arg5[%arg0, %mul3A_55, %dma_wait3A] : memref<2x10240x128xf32, #tpu.memory_space<hbm>> -> memref<1x640x128xf32, #tpu.memory_space<hbm>>
      %dma_wait3A_61 = tpu.memref_squeeze %dma_wait3A_60 : memref<1x640x128xf32, #tpu.memory_space<hbm>> -> memref<640x128xf32, #tpu.memory_space<hbm>>
      %dma_wait3A_62 = arith.constant 0 : i32
      %dma_wait3A_63 = tpu.memref_slice %arg13[%mul3A_55, %dma_wait3A_62] : memref<10240x128xf32, #tpu.memory_space<vmem_shared>> -> memref<640x128xf32, #tpu.memory_space<vmem_shared>>
      tpu.wait_dma2 semaphore(%run_scoped3A : memref<!tpu.dma_semaphore, #tpu.memory_space<semaphore_mem>>) src(%dma_wait3A_63 : memref<640x128xf32, #tpu.memory_space<vmem_shared>>) dst(%dma_wait3A_61 : memref<640x128xf32, #tpu.memory_space<hbm>>)
      tpu.yield
    }) : () -> ()
    "tpu.region"() ({
      %run_scoped3A = tpu.sem_alloc : memref<!tpu.dma_semaphore, #tpu.memory_space<semaphore_mem>>
      %dma_start3A = arith.constant 0 : i32
      %dma_start3A_56 = tpu.memref_slice %arg6[%arg0, %mul3A_55, %dma_start3A] : memref<2x10240x16xf32, #tpu.memory_space<hbm>> -> memref<1x640x16xf32, #tpu.memory_space<hbm>>
      %dma_start3A_57 = tpu.memref_squeeze %dma_start3A_56 : memref<1x640x16xf32, #tpu.memory_space<hbm>> -> memref<640x16xf32, #tpu.memory_space<hbm>>
      %dma_start3A_58 = arith.constant 0 : i32
      %dma_start3A_59 = tpu.memref_slice %arg14[%mul3A_55, %dma_start3A_58] : memref<10240x16xf32, #tpu.memory_space<vmem_shared>> -> memref<640x16xf32, #tpu.memory_space<vmem_shared>>
      tpu.enqueue_dma source(%dma_start3A_59 : memref<640x16xf32, #tpu.memory_space<vmem_shared>>) target(%dma_start3A_57 : memref<640x16xf32, #tpu.memory_space<hbm>>) target_semaphore(%run_scoped3A : memref<!tpu.dma_semaphore, #tpu.memory_space<semaphore_mem>>)
      %dma_wait3A = arith.constant 0 : i32
      %dma_wait3A_60 = tpu.memref_slice %arg6[%arg0, %mul3A_55, %dma_wait3A] : memref<2x10240x16xf32, #tpu.memory_space<hbm>> -> memref<1x640x16xf32, #tpu.memory_space<hbm>>
      %dma_wait3A_61 = tpu.memref_squeeze %dma_wait3A_60 : memref<1x640x16xf32, #tpu.memory_space<hbm>> -> memref<640x16xf32, #tpu.memory_space<hbm>>
      %dma_wait3A_62 = arith.constant 0 : i32
      %dma_wait3A_63 = tpu.memref_slice %arg14[%mul3A_55, %dma_wait3A_62] : memref<10240x16xf32, #tpu.memory_space<vmem_shared>> -> memref<640x16xf32, #tpu.memory_space<vmem_shared>>
      tpu.wait_dma2 semaphore(%run_scoped3A : memref<!tpu.dma_semaphore, #tpu.memory_space<semaphore_mem>>) src(%dma_wait3A_63 : memref<640x16xf32, #tpu.memory_space<vmem_shared>>) dst(%dma_wait3A_61 : memref<640x16xf32, #tpu.memory_space<hbm>>)
      tpu.yield
    }) : () -> ()
    return
  }
}

#map = affine_map<(d0, d1) -> (0, 0)>
#map1 = affine_map<(d0, d1) -> (0, 0, 0)>
module attributes {stable_mosaic.version = 14 : i64} {
  func.func @body(%arg0: i32, %arg1: i32, %arg2: memref<10000x128xf32, #tpu.memory_space<hbm>>, %arg3: memref<32x125x80xi32, #tpu.memory_space<hbm>>, %arg4: memref<32x125x80xi32, #tpu.memory_space<hbm>>, %arg5: memref<2x10240x128xf32, #tpu.memory_space<hbm>>, %arg6: memref<80xi32, #tpu.memory_space<vmem>>, %arg7: memref<80xi32, #tpu.memory_space<vmem>>, %arg8: memref<80x128xf32, #tpu.memory_space<vmem>>, %arg9: memref<128x128xf32, #tpu.memory_space<vmem>>, %arg10: memref<80x16xf32, #tpu.memory_space<vmem>>, %arg11: memref<640x16xf32, #tpu.memory_space<vmem>>, %arg12: memref<10240x128xf32, #tpu.memory_space<vmem_shared>>, %arg13: memref<10240x16xf32, #tpu.memory_space<vmem_shared>>, %arg14: memref<!tpu.dma_semaphore, #tpu.memory_space<semaphore_mem>>) attributes {dimension_semantics = [#tpu.dimension_semantics<core_parallel>, #tpu.dimension_semantics<subcore_parallel>], iteration_bounds = array<i64: 2, 16>, scalar_prefetch = 0 : i64, scratch_operands = 9 : i64, tpu.core_type = #tpu.core_type<sc_vector_subcore>, window_params = [{transform_indices = #map}, {transform_indices = #map1}, {transform_indices = #map1}, {transform_indices = #map1}]} {
    %mul3A = arith.constant 2 : i32
    %mul3A_0 = arith.muli %arg1, %mul3A : i32
    %add3A = arith.addi %mul3A_0, %arg0 : i32
    %broadcast_in_dim3A = arith.constant 0.000000e+00 : f32
    %broadcast_in_dim3A_1 = vector.broadcast %broadcast_in_dim3A : f32 to vector<16xf32>
    %scan3A = arith.constant 0 : i32
    %scan3A_2 = arith.constant 0 : i32
    %scan3A_3 = arith.constant 128 : i32
    %scan3A_4 = arith.addi %scan3A_2, %scan3A_3 : i32
    %scan3A_5 = arith.constant 1 : i32
    %scan3A_6 = scf.for %scan3A_38 = %scan3A_2 to %scan3A_4 step %scan3A_5 iter_args(%scan3A_39 = %scan3A) -> (i32)  : i32 {
      %swap3A = arith.index_cast %scan3A_38 : i32 to index
      %swap3A_40 = arith.constant 0 : index
      %swap3A_41 = tpu.vector_load %arg9[%swap3A, %swap3A_40] {strides = array<i32>} : memref<128x128xf32, #tpu.memory_space<vmem>>, vector<1x16xf32>,
      %swap3A_42 = vector.shape_cast %swap3A_41 : vector<1x16xf32> to vector<16xf32>
      %swap3A_43 = vector.shape_cast %broadcast_in_dim3A_1 : vector<16xf32> to vector<1x16xf32>
      tpu.vector_store %arg9[%swap3A, %swap3A_40], %swap3A_43 {strides = array<i32>} : memref<128x128xf32, #tpu.memory_space<vmem>>, vector<1x16xf32>,
      %swap3A_44 = arith.index_cast %scan3A_38 : i32 to index
      %swap3A_45 = arith.constant 16 : index
      %swap3A_46 = tpu.vector_load %arg9[%swap3A_44, %swap3A_45] {strides = array<i32>} : memref<128x128xf32, #tpu.memory_space<vmem>>, vector<1x16xf32>,
      %swap3A_47 = vector.shape_cast %swap3A_46 : vector<1x16xf32> to vector<16xf32>
      %swap3A_48 = vector.shape_cast %broadcast_in_dim3A_1 : vector<16xf32> to vector<1x16xf32>
      tpu.vector_store %arg9[%swap3A_44, %swap3A_45], %swap3A_48 {strides = array<i32>} : memref<128x128xf32, #tpu.memory_space<vmem>>, vector<1x16xf32>,
      %swap3A_49 = arith.index_cast %scan3A_38 : i32 to index
      %swap3A_50 = arith.constant 32 : index
      %swap3A_51 = tpu.vector_load %arg9[%swap3A_49, %swap3A_50] {strides = array<i32>} : memref<128x128xf32, #tpu.memory_space<vmem>>, vector<1x16xf32>,
      %swap3A_52 = vector.shape_cast %swap3A_51 : vector<1x16xf32> to vector<16xf32>
      %swap3A_53 = vector.shape_cast %broadcast_in_dim3A_1 : vector<16xf32> to vector<1x16xf32>
      tpu.vector_store %arg9[%swap3A_49, %swap3A_50], %swap3A_53 {strides = array<i32>} : memref<128x128xf32, #tpu.memory_space<vmem>>, vector<1x16xf32>,
      %swap3A_54 = arith.index_cast %scan3A_38 : i32 to index
      %swap3A_55 = arith.constant 48 : index
      %swap3A_56 = tpu.vector_load %arg9[%swap3A_54, %swap3A_55] {strides = array<i32>} : memref<128x128xf32, #tpu.memory_space<vmem>>, vector<1x16xf32>,
      %swap3A_57 = vector.shape_cast %swap3A_56 : vector<1x16xf32> to vector<16xf32>
      %swap3A_58 = vector.shape_cast %broadcast_in_dim3A_1 : vector<16xf32> to vector<1x16xf32>
      tpu.vector_store %arg9[%swap3A_54, %swap3A_55], %swap3A_58 {strides = array<i32>} : memref<128x128xf32, #tpu.memory_space<vmem>>, vector<1x16xf32>,
      %swap3A_59 = arith.index_cast %scan3A_38 : i32 to index
      %swap3A_60 = arith.constant 64 : index
      %swap3A_61 = tpu.vector_load %arg9[%swap3A_59, %swap3A_60] {strides = array<i32>} : memref<128x128xf32, #tpu.memory_space<vmem>>, vector<1x16xf32>,
      %swap3A_62 = vector.shape_cast %swap3A_61 : vector<1x16xf32> to vector<16xf32>
      %swap3A_63 = vector.shape_cast %broadcast_in_dim3A_1 : vector<16xf32> to vector<1x16xf32>
      tpu.vector_store %arg9[%swap3A_59, %swap3A_60], %swap3A_63 {strides = array<i32>} : memref<128x128xf32, #tpu.memory_space<vmem>>, vector<1x16xf32>,
      %swap3A_64 = arith.index_cast %scan3A_38 : i32 to index
      %swap3A_65 = arith.constant 80 : index
      %swap3A_66 = tpu.vector_load %arg9[%swap3A_64, %swap3A_65] {strides = array<i32>} : memref<128x128xf32, #tpu.memory_space<vmem>>, vector<1x16xf32>,
      %swap3A_67 = vector.shape_cast %swap3A_66 : vector<1x16xf32> to vector<16xf32>
      %swap3A_68 = vector.shape_cast %broadcast_in_dim3A_1 : vector<16xf32> to vector<1x16xf32>
      tpu.vector_store %arg9[%swap3A_64, %swap3A_65], %swap3A_68 {strides = array<i32>} : memref<128x128xf32, #tpu.memory_space<vmem>>, vector<1x16xf32>,
      %swap3A_69 = arith.index_cast %scan3A_38 : i32 to index
      %swap3A_70 = arith.constant 96 : index
      %swap3A_71 = tpu.vector_load %arg9[%swap3A_69, %swap3A_70] {strides = array<i32>} : memref<128x128xf32, #tpu.memory_space<vmem>>, vector<1x16xf32>,
      %swap3A_72 = vector.shape_cast %swap3A_71 : vector<1x16xf32> to vector<16xf32>
      %swap3A_73 = vector.shape_cast %broadcast_in_dim3A_1 : vector<16xf32> to vector<1x16xf32>
      tpu.vector_store %arg9[%swap3A_69, %swap3A_70], %swap3A_73 {strides = array<i32>} : memref<128x128xf32, #tpu.memory_space<vmem>>, vector<1x16xf32>,
      %swap3A_74 = arith.index_cast %scan3A_38 : i32 to index
      %swap3A_75 = arith.constant 112 : index
      %swap3A_76 = tpu.vector_load %arg9[%swap3A_74, %swap3A_75] {strides = array<i32>} : memref<128x128xf32, #tpu.memory_space<vmem>>, vector<1x16xf32>,
      %swap3A_77 = vector.shape_cast %swap3A_76 : vector<1x16xf32> to vector<16xf32>
      %swap3A_78 = vector.shape_cast %broadcast_in_dim3A_1 : vector<16xf32> to vector<1x16xf32>
      tpu.vector_store %arg9[%swap3A_74, %swap3A_75], %swap3A_78 {strides = array<i32>} : memref<128x128xf32, #tpu.memory_space<vmem>>, vector<1x16xf32>,
      %scan3A_79 = arith.constant 0 : i32
      scf.yield %scan3A_79 : i32
    }
    %scan3A_7 = arith.constant 128 : i32
    %mul3A_8 = arith.constant 640 : i32
    %mul3A_9 = arith.muli %arg1, %mul3A_8 : i32
    %add3A_10 = arith.constant 0 : i32
    %add3A_11 = arith.addi %mul3A_9, %add3A_10 : i32
    "tpu.region"() ({
      %run_scoped3A = tpu.sem_alloc : memref<!tpu.dma_semaphore, #tpu.memory_space<semaphore_mem>>
      %dma_start3A = arith.constant 0 : i32
      %dma_start3A_38 = tpu.memref_slice %arg12[%add3A_11, %dma_start3A] : memref<10240x128xf32, #tpu.memory_space<vmem_shared>> -> memref<128x128xf32, #tpu.memory_space<vmem_shared>>
      %dma_start3A_39 = arith.constant 0 : i32
      %dma_start3A_40 = tpu.memref_slice %arg12[%add3A_11, %dma_start3A_39] : memref<10240x128xf32, #tpu.memory_space<vmem_shared>> -> memref<128x128xf32, #tpu.memory_space<vmem_shared>>
      tpu.enqueue_dma source(%arg9 : memref<128x128xf32, #tpu.memory_space<vmem>>) target(%dma_start3A_40 : memref<128x128xf32, #tpu.memory_space<vmem_shared>>) target_semaphore(%run_scoped3A : memref<!tpu.dma_semaphore, #tpu.memory_space<semaphore_mem>>)
      %dma_wait3A = arith.constant 0 : i32
      %dma_wait3A_41 = tpu.memref_slice %arg12[%add3A_11, %dma_wait3A] : memref<10240x128xf32, #tpu.memory_space<vmem_shared>> -> memref<128x128xf32, #tpu.memory_space<vmem_shared>>
      %dma_wait3A_42 = arith.constant 0 : i32
      %dma_wait3A_43 = tpu.memref_slice %arg12[%add3A_11, %dma_wait3A_42] : memref<10240x128xf32, #tpu.memory_space<vmem_shared>> -> memref<128x128xf32, #tpu.memory_space<vmem_shared>>
      tpu.wait_dma2 semaphore(%run_scoped3A : memref<!tpu.dma_semaphore, #tpu.memory_space<semaphore_mem>>) src(%arg9 : memref<128x128xf32, #tpu.memory_space<vmem>>) dst(%dma_wait3A_43 : memref<128x128xf32, #tpu.memory_space<vmem_shared>>)
      tpu.yield
    }) : () -> ()
    %mul3A_12 = arith.constant 640 : i32
    %mul3A_13 = arith.muli %arg1, %mul3A_12 : i32
    %add3A_14 = arith.constant 128 : i32
    %add3A_15 = arith.addi %mul3A_13, %add3A_14 : i32
    "tpu.region"() ({
      %run_scoped3A = tpu.sem_alloc : memref<!tpu.dma_semaphore, #tpu.memory_space<semaphore_mem>>
      %dma_start3A = arith.constant 0 : i32
      %dma_start3A_38 = tpu.memref_slice %arg12[%add3A_15, %dma_start3A] : memref<10240x128xf32, #tpu.memory_space<vmem_shared>> -> memref<128x128xf32, #tpu.memory_space<vmem_shared>>
      %dma_start3A_39 = arith.constant 0 : i32
      %dma_start3A_40 = tpu.memref_slice %arg12[%add3A_15, %dma_start3A_39] : memref<10240x128xf32, #tpu.memory_space<vmem_shared>> -> memref<128x128xf32, #tpu.memory_space<vmem_shared>>
      tpu.enqueue_dma source(%arg9 : memref<128x128xf32, #tpu.memory_space<vmem>>) target(%dma_start3A_40 : memref<128x128xf32, #tpu.memory_space<vmem_shared>>) target_semaphore(%run_scoped3A : memref<!tpu.dma_semaphore, #tpu.memory_space<semaphore_mem>>)
      %dma_wait3A = arith.constant 0 : i32
      %dma_wait3A_41 = tpu.memref_slice %arg12[%add3A_15, %dma_wait3A] : memref<10240x128xf32, #tpu.memory_space<vmem_shared>> -> memref<128x128xf32, #tpu.memory_space<vmem_shared>>
      %dma_wait3A_42 = arith.constant 0 : i32
      %dma_wait3A_43 = tpu.memref_slice %arg12[%add3A_15, %dma_wait3A_42] : memref<10240x128xf32, #tpu.memory_space<vmem_shared>> -> memref<128x128xf32, #tpu.memory_space<vmem_shared>>
      tpu.wait_dma2 semaphore(%run_scoped3A : memref<!tpu.dma_semaphore, #tpu.memory_space<semaphore_mem>>) src(%arg9 : memref<128x128xf32, #tpu.memory_space<vmem>>) dst(%dma_wait3A_43 : memref<128x128xf32, #tpu.memory_space<vmem_shared>>)
      tpu.yield
    }) : () -> ()
    %mul3A_16 = arith.constant 640 : i32
    %mul3A_17 = arith.muli %arg1, %mul3A_16 : i32
    %add3A_18 = arith.constant 256 : i32
    %add3A_19 = arith.addi %mul3A_17, %add3A_18 : i32
    "tpu.region"() ({
      %run_scoped3A = tpu.sem_alloc : memref<!tpu.dma_semaphore, #tpu.memory_space<semaphore_mem>>
      %dma_start3A = arith.constant 0 : i32
      %dma_start3A_38 = tpu.memref_slice %arg12[%add3A_19, %dma_start3A] : memref<10240x128xf32, #tpu.memory_space<vmem_shared>> -> memref<128x128xf32, #tpu.memory_space<vmem_shared>>
      %dma_start3A_39 = arith.constant 0 : i32
      %dma_start3A_40 = tpu.memref_slice %arg12[%add3A_19, %dma_start3A_39] : memref<10240x128xf32, #tpu.memory_space<vmem_shared>> -> memref<128x128xf32, #tpu.memory_space<vmem_shared>>
      tpu.enqueue_dma source(%arg9 : memref<128x128xf32, #tpu.memory_space<vmem>>) target(%dma_start3A_40 : memref<128x128xf32, #tpu.memory_space<vmem_shared>>) target_semaphore(%run_scoped3A : memref<!tpu.dma_semaphore, #tpu.memory_space<semaphore_mem>>)
      %dma_wait3A = arith.constant 0 : i32
      %dma_wait3A_41 = tpu.memref_slice %arg12[%add3A_19, %dma_wait3A] : memref<10240x128xf32, #tpu.memory_space<vmem_shared>> -> memref<128x128xf32, #tpu.memory_space<vmem_shared>>
      %dma_wait3A_42 = arith.constant 0 : i32
      %dma_wait3A_43 = tpu.memref_slice %arg12[%add3A_19, %dma_wait3A_42] : memref<10240x128xf32, #tpu.memory_space<vmem_shared>> -> memref<128x128xf32, #tpu.memory_space<vmem_shared>>
      tpu.wait_dma2 semaphore(%run_scoped3A : memref<!tpu.dma_semaphore, #tpu.memory_space<semaphore_mem>>) src(%arg9 : memref<128x128xf32, #tpu.memory_space<vmem>>) dst(%dma_wait3A_43 : memref<128x128xf32, #tpu.memory_space<vmem_shared>>)
      tpu.yield
    }) : () -> ()
    %mul3A_20 = arith.constant 640 : i32
    %mul3A_21 = arith.muli %arg1, %mul3A_20 : i32
    %add3A_22 = arith.constant 384 : i32
    %add3A_23 = arith.addi %mul3A_21, %add3A_22 : i32
    "tpu.region"() ({
      %run_scoped3A = tpu.sem_alloc : memref<!tpu.dma_semaphore, #tpu.memory_space<semaphore_mem>>
      %dma_start3A = arith.constant 0 : i32
      %dma_start3A_38 = tpu.memref_slice %arg12[%add3A_23, %dma_start3A] : memref<10240x128xf32, #tpu.memory_space<vmem_shared>> -> memref<128x128xf32, #tpu.memory_space<vmem_shared>>
      %dma_start3A_39 = arith.constant 0 : i32
      %dma_start3A_40 = tpu.memref_slice %arg12[%add3A_23, %dma_start3A_39] : memref<10240x128xf32, #tpu.memory_space<vmem_shared>> -> memref<128x128xf32, #tpu.memory_space<vmem_shared>>
      tpu.enqueue_dma source(%arg9 : memref<128x128xf32, #tpu.memory_space<vmem>>) target(%dma_start3A_40 : memref<128x128xf32, #tpu.memory_space<vmem_shared>>) target_semaphore(%run_scoped3A : memref<!tpu.dma_semaphore, #tpu.memory_space<semaphore_mem>>)
      %dma_wait3A = arith.constant 0 : i32
      %dma_wait3A_41 = tpu.memref_slice %arg12[%add3A_23, %dma_wait3A] : memref<10240x128xf32, #tpu.memory_space<vmem_shared>> -> memref<128x128xf32, #tpu.memory_space<vmem_shared>>
      %dma_wait3A_42 = arith.constant 0 : i32
      %dma_wait3A_43 = tpu.memref_slice %arg12[%add3A_23, %dma_wait3A_42] : memref<10240x128xf32, #tpu.memory_space<vmem_shared>> -> memref<128x128xf32, #tpu.memory_space<vmem_shared>>
      tpu.wait_dma2 semaphore(%run_scoped3A : memref<!tpu.dma_semaphore, #tpu.memory_space<semaphore_mem>>) src(%arg9 : memref<128x128xf32, #tpu.memory_space<vmem>>) dst(%dma_wait3A_43 : memref<128x128xf32, #tpu.memory_space<vmem_shared>>)
      tpu.yield
    }) : () -> ()
    %mul3A_24 = arith.constant 640 : i32
    %mul3A_25 = arith.muli %arg1, %mul3A_24 : i32
    %add3A_26 = arith.constant 512 : i32
    %add3A_27 = arith.addi %mul3A_25, %add3A_26 : i32
    "tpu.region"() ({
      %run_scoped3A = tpu.sem_alloc : memref<!tpu.dma_semaphore, #tpu.memory_space<semaphore_mem>>
      %dma_start3A = arith.constant 0 : i32
      %dma_start3A_38 = tpu.memref_slice %arg12[%add3A_27, %dma_start3A] : memref<10240x128xf32, #tpu.memory_space<vmem_shared>> -> memref<128x128xf32, #tpu.memory_space<vmem_shared>>
      %dma_start3A_39 = arith.constant 0 : i32
      %dma_start3A_40 = tpu.memref_slice %arg12[%add3A_27, %dma_start3A_39] : memref<10240x128xf32, #tpu.memory_space<vmem_shared>> -> memref<128x128xf32, #tpu.memory_space<vmem_shared>>
      tpu.enqueue_dma source(%arg9 : memref<128x128xf32, #tpu.memory_space<vmem>>) target(%dma_start3A_40 : memref<128x128xf32, #tpu.memory_space<vmem_shared>>) target_semaphore(%run_scoped3A : memref<!tpu.dma_semaphore, #tpu.memory_space<semaphore_mem>>)
      %dma_wait3A = arith.constant 0 : i32
      %dma_wait3A_41 = tpu.memref_slice %arg12[%add3A_27, %dma_wait3A] : memref<10240x128xf32, #tpu.memory_space<vmem_shared>> -> memref<128x128xf32, #tpu.memory_space<vmem_shared>>
      %dma_wait3A_42 = arith.constant 0 : i32
      %dma_wait3A_43 = tpu.memref_slice %arg12[%add3A_27, %dma_wait3A_42] : memref<10240x128xf32, #tpu.memory_space<vmem_shared>> -> memref<128x128xf32, #tpu.memory_space<vmem_shared>>
      tpu.wait_dma2 semaphore(%run_scoped3A : memref<!tpu.dma_semaphore, #tpu.memory_space<semaphore_mem>>) src(%arg9 : memref<128x128xf32, #tpu.memory_space<vmem>>) dst(%dma_wait3A_43 : memref<128x128xf32, #tpu.memory_space<vmem_shared>>)
      tpu.yield
    }) : () -> ()
    %barrier3A = arith.constant 0 : index
    tpu.barrier barrier_id(%barrier3A)
    %scan3A_28 = arith.constant 0 : i32
    %scan3A_29 = arith.constant 0 : i32
    %scan3A_30 = arith.constant 125 : i32
    %scan3A_31 = arith.addi %scan3A_29, %scan3A_30 : i32
    %scan3A_32 = arith.constant 1 : i32
    %scan3A_33 = scf.for %scan3A_38 = %scan3A_29 to %scan3A_31 step %scan3A_32 iter_args(%scan3A_39 = %scan3A_28) -> (i32)  : i32 {
      "tpu.region"() ({
        %run_scoped3A = tpu.sem_alloc : memref<!tpu.dma_semaphore, #tpu.memory_space<semaphore_mem>>
        %dma_start3A_45 = arith.constant 0 : i32
        %dma_start3A_46 = tpu.memref_slice %arg3[%add3A, %scan3A_38, %dma_start3A_45] : memref<32x125x80xi32, #tpu.memory_space<hbm>> -> memref<1x1x80xi32, #tpu.memory_space<hbm>>
        %dma_start3A_47 = tpu.memref_squeeze %dma_start3A_46 : memref<1x1x80xi32, #tpu.memory_space<hbm>> -> memref<80xi32, #tpu.memory_space<hbm>>
        %dma_start3A_48 = arith.constant 0 : i32
        %dma_start3A_49 = tpu.memref_slice %arg3[%add3A, %scan3A_38, %dma_start3A_48] : memref<32x125x80xi32, #tpu.memory_space<hbm>> -> memref<1x1x80xi32, #tpu.memory_space<hbm>>
        %dma_start3A_50 = tpu.memref_squeeze %dma_start3A_49 : memref<1x1x80xi32, #tpu.memory_space<hbm>> -> memref<80xi32, #tpu.memory_space<hbm>>
        tpu.enqueue_dma source(%dma_start3A_50 : memref<80xi32, #tpu.memory_space<hbm>>) target(%arg6 : memref<80xi32, #tpu.memory_space<vmem>>) target_semaphore(%run_scoped3A : memref<!tpu.dma_semaphore, #tpu.memory_space<semaphore_mem>>)
        %dma_wait3A_51 = arith.constant 0 : i32
        %dma_wait3A_52 = tpu.memref_slice %arg3[%add3A, %scan3A_38, %dma_wait3A_51] : memref<32x125x80xi32, #tpu.memory_space<hbm>> -> memref<1x1x80xi32, #tpu.memory_space<hbm>>
        %dma_wait3A_53 = tpu.memref_squeeze %dma_wait3A_52 : memref<1x1x80xi32, #tpu.memory_space<hbm>> -> memref<80xi32, #tpu.memory_space<hbm>>
        %dma_wait3A_54 = arith.constant 0 : i32
        %dma_wait3A_55 = tpu.memref_slice %arg3[%add3A, %scan3A_38, %dma_wait3A_54] : memref<32x125x80xi32, #tpu.memory_space<hbm>> -> memref<1x1x80xi32, #tpu.memory_space<hbm>>
        %dma_wait3A_56 = tpu.memref_squeeze %dma_wait3A_55 : memref<1x1x80xi32, #tpu.memory_space<hbm>> -> memref<80xi32, #tpu.memory_space<hbm>>
        tpu.wait_dma2 semaphore(%run_scoped3A : memref<!tpu.dma_semaphore, #tpu.memory_space<semaphore_mem>>) src(%dma_wait3A_56 : memref<80xi32, #tpu.memory_space<hbm>>) dst(%arg6 : memref<80xi32, #tpu.memory_space<vmem>>)
        tpu.yield
      }) : () -> ()
      "tpu.region"() ({
        %run_scoped3A = tpu.sem_alloc : memref<!tpu.dma_semaphore, #tpu.memory_space<semaphore_mem>>
        %dma_start3A_45 = arith.constant 0 : i32
        %dma_start3A_46 = tpu.memref_slice %arg4[%add3A, %scan3A_38, %dma_start3A_45] : memref<32x125x80xi32, #tpu.memory_space<hbm>> -> memref<1x1x80xi32, #tpu.memory_space<hbm>>
        %dma_start3A_47 = tpu.memref_squeeze %dma_start3A_46 : memref<1x1x80xi32, #tpu.memory_space<hbm>> -> memref<80xi32, #tpu.memory_space<hbm>>
        %dma_start3A_48 = arith.constant 0 : i32
        %dma_start3A_49 = tpu.memref_slice %arg4[%add3A, %scan3A_38, %dma_start3A_48] : memref<32x125x80xi32, #tpu.memory_space<hbm>> -> memref<1x1x80xi32, #tpu.memory_space<hbm>>
        %dma_start3A_50 = tpu.memref_squeeze %dma_start3A_49 : memref<1x1x80xi32, #tpu.memory_space<hbm>> -> memref<80xi32, #tpu.memory_space<hbm>>
        tpu.enqueue_dma source(%dma_start3A_50 : memref<80xi32, #tpu.memory_space<hbm>>) target(%arg7 : memref<80xi32, #tpu.memory_space<vmem>>) target_semaphore(%run_scoped3A : memref<!tpu.dma_semaphore, #tpu.memory_space<semaphore_mem>>)
        %dma_wait3A_51 = arith.constant 0 : i32
        %dma_wait3A_52 = tpu.memref_slice %arg4[%add3A, %scan3A_38, %dma_wait3A_51] : memref<32x125x80xi32, #tpu.memory_space<hbm>> -> memref<1x1x80xi32, #tpu.memory_space<hbm>>
        %dma_wait3A_53 = tpu.memref_squeeze %dma_wait3A_52 : memref<1x1x80xi32, #tpu.memory_space<hbm>> -> memref<80xi32, #tpu.memory_space<hbm>>
        %dma_wait3A_54 = arith.constant 0 : i32
        %dma_wait3A_55 = tpu.memref_slice %arg4[%add3A, %scan3A_38, %dma_wait3A_54] : memref<32x125x80xi32, #tpu.memory_space<hbm>> -> memref<1x1x80xi32, #tpu.memory_space<hbm>>
        %dma_wait3A_56 = tpu.memref_squeeze %dma_wait3A_55 : memref<1x1x80xi32, #tpu.memory_space<hbm>> -> memref<80xi32, #tpu.memory_space<hbm>>
        tpu.wait_dma2 semaphore(%run_scoped3A : memref<!tpu.dma_semaphore, #tpu.memory_space<semaphore_mem>>) src(%dma_wait3A_56 : memref<80xi32, #tpu.memory_space<hbm>>) dst(%arg7 : memref<80xi32, #tpu.memory_space<vmem>>)
        tpu.yield
      }) : () -> ()
      %dma_start3A = arith.constant 0 : i32
      %dma_start3A_40 = arith.constant 0 : i32
      %dma_start3A_41 = tpu.memref_slice %arg2[%dma_start3A, %dma_start3A_40] : memref<10000x128xf32, #tpu.memory_space<hbm>> -> memref<10000x128xf32, #tpu.memory_space<hbm>>
      tpu.enqueue_indirect_dma source(%dma_start3A_41 : memref<10000x128xf32, #tpu.memory_space<hbm>>) target(%arg8 : memref<80x128xf32, #tpu.memory_space<vmem>>) offsets(%arg6 : memref<80xi32, #tpu.memory_space<vmem>>) semaphore(%arg14 : memref<!tpu.dma_semaphore, #tpu.memory_space<semaphore_mem>>)
      %dma_wait3A = arith.constant 0 : i32
      %dma_wait3A_42 = arith.constant 0 : i32
      %dma_wait3A_43 = tpu.memref_slice %arg2[%dma_wait3A, %dma_wait3A_42] : memref<10000x128xf32, #tpu.memory_space<hbm>> -> memref<10000x128xf32, #tpu.memory_space<hbm>>
      tpu.wait_indirect_dma semaphore(%arg14 : memref<!tpu.dma_semaphore, #tpu.memory_space<semaphore_mem>>) src(%dma_wait3A_43 : memref<10000x128xf32, #tpu.memory_space<hbm>>) dst(%arg8 : memref<80x128xf32, #tpu.memory_space<vmem>>)
      "tpu.region"() ({
        %run_scoped3A = tpu.sem_alloc : memref<!tpu.dma_semaphore, #tpu.memory_space<semaphore_mem>>
        %dma_start3A_45 = arith.constant 0 : i32
        %dma_start3A_46 = arith.constant 0 : i32
        %dma_start3A_47 = tpu.memref_slice %arg12[%dma_start3A_45, %dma_start3A_46] : memref<10240x128xf32, #tpu.memory_space<vmem_shared>> -> memref<10240x128xf32, #tpu.memory_space<vmem_shared>>
        tpu.enqueue_indirect_dma source(%arg8 : memref<80x128xf32, #tpu.memory_space<vmem>>) target(%dma_start3A_47 : memref<10240x128xf32, #tpu.memory_space<vmem_shared>>) offsets(%arg7 : memref<80xi32, #tpu.memory_space<vmem>>) semaphore(%run_scoped3A : memref<!tpu.dma_semaphore, #tpu.memory_space<semaphore_mem>>) {add = true}
        %dma_wait3A_48 = arith.constant 0 : i32
        %dma_wait3A_49 = arith.constant 0 : i32
        %dma_wait3A_50 = tpu.memref_slice %arg12[%dma_wait3A_48, %dma_wait3A_49] : memref<10240x128xf32, #tpu.memory_space<vmem_shared>> -> memref<10240x128xf32, #tpu.memory_space<vmem_shared>>
        tpu.wait_indirect_dma semaphore(%run_scoped3A : memref<!tpu.dma_semaphore, #tpu.memory_space<semaphore_mem>>) src(%arg8 : memref<80x128xf32, #tpu.memory_space<vmem>>) dst(%dma_wait3A_50 : memref<10240x128xf32, #tpu.memory_space<vmem_shared>>)
        tpu.yield
      }) : () -> ()
      %scan3A_44 = arith.constant 0 : i32
      scf.yield %scan3A_44 : i32
    }
    %scan3A_34 = arith.constant 125 : i32
    %barrier3A_35 = arith.constant 0 : index
    tpu.barrier barrier_id(%barrier3A_35)
    %mul3A_36 = arith.constant 640 : i32
    %mul3A_37 = arith.muli %arg1, %mul3A_36 : i32
    "tpu.region"() ({
      %run_scoped3A = tpu.sem_alloc : memref<!tpu.dma_semaphore, #tpu.memory_space<semaphore_mem>>
      %dma_start3A = arith.constant 0 : i32
      %dma_start3A_38 = tpu.memref_slice %arg5[%arg0, %mul3A_37, %dma_start3A] : memref<2x10240x128xf32, #tpu.memory_space<hbm>> -> memref<1x640x128xf32, #tpu.memory_space<hbm>>
      %dma_start3A_39 = tpu.memref_squeeze %dma_start3A_38 : memref<1x640x128xf32, #tpu.memory_space<hbm>> -> memref<640x128xf32, #tpu.memory_space<hbm>>
      %dma_start3A_40 = arith.constant 0 : i32
      %dma_start3A_41 = tpu.memref_slice %arg12[%mul3A_37, %dma_start3A_40] : memref<10240x128xf32, #tpu.memory_space<vmem_shared>> -> memref<640x128xf32, #tpu.memory_space<vmem_shared>>
      tpu.enqueue_dma source(%dma_start3A_41 : memref<640x128xf32, #tpu.memory_space<vmem_shared>>) target(%dma_start3A_39 : memref<640x128xf32, #tpu.memory_space<hbm>>) target_semaphore(%run_scoped3A : memref<!tpu.dma_semaphore, #tpu.memory_space<semaphore_mem>>)
      %dma_wait3A = arith.constant 0 : i32
      %dma_wait3A_42 = tpu.memref_slice %arg5[%arg0, %mul3A_37, %dma_wait3A] : memref<2x10240x128xf32, #tpu.memory_space<hbm>> -> memref<1x640x128xf32, #tpu.memory_space<hbm>>
      %dma_wait3A_43 = tpu.memref_squeeze %dma_wait3A_42 : memref<1x640x128xf32, #tpu.memory_space<hbm>> -> memref<640x128xf32, #tpu.memory_space<hbm>>
      %dma_wait3A_44 = arith.constant 0 : i32
      %dma_wait3A_45 = tpu.memref_slice %arg12[%mul3A_37, %dma_wait3A_44] : memref<10240x128xf32, #tpu.memory_space<vmem_shared>> -> memref<640x128xf32, #tpu.memory_space<vmem_shared>>
      tpu.wait_dma2 semaphore(%run_scoped3A : memref<!tpu.dma_semaphore, #tpu.memory_space<semaphore_mem>>) src(%dma_wait3A_45 : memref<640x128xf32, #tpu.memory_space<vmem_shared>>) dst(%dma_wait3A_43 : memref<640x128xf32, #tpu.memory_space<hbm>>)
      tpu.yield
    }) : () -> ()
    return
  }
}

module attributes {stable_mosaic.version = 14 : i64} {
  func.func @_tc_body(%arg0: i32, %arg1: memref<2x1000x128xf32, #tpu.memory_space<vmem>>, %arg2: memref<2x1000x16xf32, #tpu.memory_space<vmem>>, %arg3: memref<1000x128xf32, #tpu.memory_space<vmem>>, %arg4: memref<128x128xf32, #tpu.memory_space<vmem>>, %arg5: memref<128x128xf32, #tpu.memory_space<vmem>>, %arg6: memref<1x128xf32, #tpu.memory_space<vmem>>, %arg7: memref<1000x128xf32, #tpu.memory_space<vmem>>) attributes {dimension_semantics = [#tpu.dimension_semantics<arbitrary>], iteration_bounds = array<i64: 10>, scalar_prefetch = 0 : i64, scratch_operands = 0 : i64, tpu.core_type = #tpu.core_type<tc>, window_params = [{transform_indices = @transform_0, window_bounds = array<i64: 2, 1000, 128>}, {transform_indices = @transform_1, window_bounds = array<i64: 2, 1000, 16>}, {transform_indices = @transform_2, window_bounds = array<i64: 1000, 128>}, {pipeline_mode = #tpu.pipeline_mode<synchronous>, transform_indices = @transform_3, window_bounds = array<i64: 128, 128>}, {pipeline_mode = #tpu.pipeline_mode<synchronous>, transform_indices = @transform_4, window_bounds = array<i64: 128, 128>}, {pipeline_mode = #tpu.pipeline_mode<synchronous>, transform_indices = @transform_5, window_bounds = array<i64: 1, 128>}, {transform_indices = @transform_6, window_bounds = array<i64: 1000, 128>}]} {
    %get3A = arith.constant 0 : index
    %get3A_0 = arith.constant 0 : index
    %get3A_1 = arith.constant 0 : index
    %get3A_2 = vector.load %arg2[%get3A, %get3A_0, %get3A_1] : memref<2x1000x16xf32, #tpu.memory_space<vmem>>, vector<1x1000x1xf32>
    %get3A_3 = vector.shape_cast %get3A_2 : vector<1x1000x1xf32> to vector<1000x1xf32>
    %get3A_4 = arith.constant 1 : index
    %get3A_5 = arith.constant 0 : index
    %get3A_6 = arith.constant 0 : index
    %get3A_7 = vector.load %arg2[%get3A_4, %get3A_5, %get3A_6] : memref<2x1000x16xf32, #tpu.memory_space<vmem>>, vector<1x1000x1xf32>
    %get3A_8 = vector.shape_cast %get3A_7 : vector<1x1000x1xf32> to vector<1000x1xf32>
    %add3A = arith.addf %get3A_3, %get3A_8 : vector<1000x1xf32>
    %get3A_9 = arith.constant 0 : index
    %get3A_10 = arith.constant 0 : index
    %get3A_11 = arith.constant 0 : index
    %get3A_12 = vector.load %arg1[%get3A_9, %get3A_10, %get3A_11] : memref<2x1000x128xf32, #tpu.memory_space<vmem>>, vector<1x1000x128xf32>
    %get3A_13 = vector.shape_cast %get3A_12 : vector<1x1000x128xf32> to vector<1000x128xf32>
    %get3A_14 = arith.constant 1 : index
    %get3A_15 = arith.constant 0 : index
    %get3A_16 = arith.constant 0 : index
    %get3A_17 = vector.load %arg1[%get3A_14, %get3A_15, %get3A_16] : memref<2x1000x128xf32, #tpu.memory_space<vmem>>, vector<1x1000x128xf32>
    %get3A_18 = vector.shape_cast %get3A_17 : vector<1x1000x128xf32> to vector<1000x128xf32>
    %add3A_19 = arith.addf %get3A_13, %get3A_18 : vector<1000x128xf32>
    %max3A = arith.constant 1.000000e+00 : f32
    %max3A_20 = vector.broadcast %max3A : f32 to vector<1000x1xf32>
    %max3A_21 = arith.maximumf %add3A, %max3A_20 : vector<1000x1xf32>
    %div3A = vector.broadcast %max3A_21 : vector<1000x1xf32> to vector<1000x128xf32>
    %div3A_22 = arith.divf %add3A_19, %div3A : vector<1000x128xf32>
    %get3A_23 = arith.constant 0 : index
    %get3A_24 = arith.constant 0 : index
    %get3A_25 = vector.load %arg4[%get3A_23, %get3A_24] : memref<128x128xf32, #tpu.memory_space<vmem>>, vector<128x128xf32>
    %dot_general3A = arith.constant dense<0.000000e+00> : vector<1000x128xf32>
    %dot_general3A_26 = tpu.matmul %div3A_22, %get3A_25, %dot_general3A {dimension_numbers = #tpu.dot_dimension_numbers<[1], [0], [0], [1], [0, 0, 1, 1], [], []>, precision = #tpu.contract_precision<fp32>, transpose_lhs_hint = false} : vector<1000x128xf32>, vector<128x128xf32>, vector<1000x128xf32> -> vector<1000x128xf32>
    %get3A_27 = arith.constant 0 : index
    %get3A_28 = arith.constant 0 : index
    %get3A_29 = vector.load %arg3[%get3A_27, %get3A_28] : memref<1000x128xf32, #tpu.memory_space<vmem>>, vector<1000x128xf32>
    %get3A_30 = arith.constant 0 : index
    %get3A_31 = arith.constant 0 : index
    %get3A_32 = vector.load %arg5[%get3A_30, %get3A_31] : memref<128x128xf32, #tpu.memory_space<vmem>>, vector<128x128xf32>
    %dot_general3A_33 = arith.constant dense<0.000000e+00> : vector<1000x128xf32>
    %dot_general3A_34 = tpu.matmul %get3A_29, %get3A_32, %dot_general3A_33 {dimension_numbers = #tpu.dot_dimension_numbers<[1], [0], [0], [1], [0, 0, 1, 1], [], []>, precision = #tpu.contract_precision<fp32>, transpose_lhs_hint = false} : vector<1000x128xf32>, vector<128x128xf32>, vector<1000x128xf32> -> vector<1000x128xf32>
    %add3A_35 = arith.addf %dot_general3A_26, %dot_general3A_34 : vector<1000x128xf32>
    %get3A_36 = arith.constant 0 : index
    %get3A_37 = arith.constant 0 : index
    %get3A_38 = vector.load %arg6[%get3A_36, %get3A_37] : memref<1x128xf32, #tpu.memory_space<vmem>>, vector<1x128xf32>
    %add3A_39 = vector.broadcast %get3A_38 : vector<1x128xf32> to vector<1000x128xf32>
    %add3A_40 = arith.addf %add3A_35, %add3A_39 : vector<1000x128xf32>
    %gt3A = arith.constant 0.000000e+00 : f32
    %gt3A_41 = vector.broadcast %gt3A : f32 to vector<1000x128xf32>
    %gt3A_42 = arith.cmpf ogt, %add3A_40, %gt3A_41 : vector<1000x128xf32>
    %mul3A = arith.constant 2.000000e-01 : f32
    %mul3A_43 = vector.broadcast %mul3A : f32 to vector<1000x128xf32>
    %mul3A_44 = arith.mulf %mul3A_43, %add3A_40 : vector<1000x128xf32>
    %select_n3A = arith.select %gt3A_42, %add3A_40, %mul3A_44 : vector<1000x128xi1>, vector<1000x128xf32>
    %swap3A = arith.constant 0 : index
    %swap3A_45 = arith.constant 0 : index
    %swap3A_46 = vector.load %arg7[%swap3A, %swap3A_45] : memref<1000x128xf32, #tpu.memory_space<vmem>>, vector<1000x128xf32>
    tpu.vector_store %arg7[%swap3A, %swap3A_45], %select_n3A {strides = array<i32>} : memref<1000x128xf32, #tpu.memory_space<vmem>>, vector<1000x128xf32>,
    return
  }
  func.func @transform_0(%arg0: i32) -> (i32, i32, i32) {
    %c0_i32 = arith.constant 0 : i32
    %c0_i32_0 = arith.constant 0 : i32
    %c0_i32_1 = arith.constant 0 : i32
    return %c0_i32, %arg0, %c0_i32_0 : i32, i32, i32
  }
  func.func @transform_1(%arg0: i32) -> (i32, i32, i32) {
    %c0_i32 = arith.constant 0 : i32
    %c0_i32_0 = arith.constant 0 : i32
    %c0_i32_1 = arith.constant 0 : i32
    return %c0_i32, %arg0, %c0_i32_0 : i32, i32, i32
  }
  func.func @transform_2(%arg0: i32) -> (i32, i32) {
    %c0_i32 = arith.constant 0 : i32
    %c0_i32_0 = arith.constant 0 : i32
    return %arg0, %c0_i32 : i32, i32
  }
  func.func @transform_3(%arg0: i32) -> (i32, i32) {
    %c0_i32 = arith.constant 0 : i32
    %c0_i32_0 = arith.constant 0 : i32
    %c0_i32_1 = arith.constant 0 : i32
    return %c0_i32, %c0_i32_0 : i32, i32
  }
  func.func @transform_4(%arg0: i32) -> (i32, i32) {
    %c0_i32 = arith.constant 0 : i32
    %c0_i32_0 = arith.constant 0 : i32
    %c0_i32_1 = arith.constant 0 : i32
    return %c0_i32, %c0_i32_0 : i32, i32
  }
  func.func @transform_5(%arg0: i32) -> (i32, i32) {
    %c0_i32 = arith.constant 0 : i32
    %c0_i32_0 = arith.constant 0 : i32
    %c0_i32_1 = arith.constant 0 : i32
    return %c0_i32, %c0_i32_0 : i32, i32
  }
  func.func @transform_6(%arg0: i32) -> (i32, i32) {
    %c0_i32 = arith.constant 0 : i32
    %c0_i32_0 = arith.constant 0 : i32
    return %arg0, %c0_i32 : i32, i32
  }
}

module attributes {stable_mosaic.version = 14 : i64} {
  func.func @_tc_body(%arg0: i32, %arg1: memref<2x1000x128xf32, #tpu.memory_space<vmem>>, %arg2: memref<2x1000x16xf32, #tpu.memory_space<vmem>>, %arg3: memref<1000x128xf32, #tpu.memory_space<vmem>>, %arg4: memref<128x128xf32, #tpu.memory_space<vmem>>, %arg5: memref<128x128xf32, #tpu.memory_space<vmem>>, %arg6: memref<1x128xf32, #tpu.memory_space<vmem>>, %arg7: memref<1000x128xf32, #tpu.memory_space<vmem>>) attributes {dimension_semantics = [#tpu.dimension_semantics<arbitrary>], iteration_bounds = array<i64: 10>, scalar_prefetch = 0 : i64, scratch_operands = 0 : i64, tpu.core_type = #tpu.core_type<tc>, window_params = [{transform_indices = @transform_0, window_bounds = array<i64: 2, 1000, 128>}, {transform_indices = @transform_1, window_bounds = array<i64: 2, 1000, 16>}, {transform_indices = @transform_2, window_bounds = array<i64: 1000, 128>}, {pipeline_mode = #tpu.pipeline_mode<synchronous>, transform_indices = @transform_3, window_bounds = array<i64: 128, 128>}, {pipeline_mode = #tpu.pipeline_mode<synchronous>, transform_indices = @transform_4, window_bounds = array<i64: 128, 128>}, {pipeline_mode = #tpu.pipeline_mode<synchronous>, transform_indices = @transform_5, window_bounds = array<i64: 1, 128>}, {transform_indices = @transform_6, window_bounds = array<i64: 1000, 128>}]} {
    %get3A = arith.constant 0 : index
    %get3A_0 = arith.constant 0 : index
    %get3A_1 = arith.constant 0 : index
    %get3A_2 = vector.load %arg2[%get3A, %get3A_0, %get3A_1] : memref<2x1000x16xf32, #tpu.memory_space<vmem>>, vector<1x1000x1xf32>
    %get3A_3 = vector.shape_cast %get3A_2 : vector<1x1000x1xf32> to vector<1000x1xf32>
    %get3A_4 = arith.constant 1 : index
    %get3A_5 = arith.constant 0 : index
    %get3A_6 = arith.constant 0 : index
    %get3A_7 = vector.load %arg2[%get3A_4, %get3A_5, %get3A_6] : memref<2x1000x16xf32, #tpu.memory_space<vmem>>, vector<1x1000x1xf32>
    %get3A_8 = vector.shape_cast %get3A_7 : vector<1x1000x1xf32> to vector<1000x1xf32>
    %add3A = arith.addf %get3A_3, %get3A_8 : vector<1000x1xf32>
    %get3A_9 = arith.constant 0 : index
    %get3A_10 = arith.constant 0 : index
    %get3A_11 = arith.constant 0 : index
    %get3A_12 = vector.load %arg1[%get3A_9, %get3A_10, %get3A_11] : memref<2x1000x128xf32, #tpu.memory_space<vmem>>, vector<1x1000x128xf32>
    %get3A_13 = vector.shape_cast %get3A_12 : vector<1x1000x128xf32> to vector<1000x128xf32>
    %get3A_14 = arith.constant 1 : index
    %get3A_15 = arith.constant 0 : index
    %get3A_16 = arith.constant 0 : index
    %get3A_17 = vector.load %arg1[%get3A_14, %get3A_15, %get3A_16] : memref<2x1000x128xf32, #tpu.memory_space<vmem>>, vector<1x1000x128xf32>
    %get3A_18 = vector.shape_cast %get3A_17 : vector<1x1000x128xf32> to vector<1000x128xf32>
    %add3A_19 = arith.addf %get3A_13, %get3A_18 : vector<1000x128xf32>
    %max3A = arith.constant 1.000000e+00 : f32
    %max3A_20 = vector.broadcast %max3A : f32 to vector<1000x1xf32>
    %max3A_21 = arith.maximumf %add3A, %max3A_20 : vector<1000x1xf32>
    %div3A = vector.broadcast %max3A_21 : vector<1000x1xf32> to vector<1000x128xf32>
    %div3A_22 = arith.divf %add3A_19, %div3A : vector<1000x128xf32>
    %get3A_23 = arith.constant 0 : index
    %get3A_24 = arith.constant 0 : index
    %get3A_25 = vector.load %arg4[%get3A_23, %get3A_24] : memref<128x128xf32, #tpu.memory_space<vmem>>, vector<128x128xf32>
    %dot_general3A = arith.constant dense<0.000000e+00> : vector<1000x128xf32>
    %dot_general3A_26 = tpu.matmul %div3A_22, %get3A_25, %dot_general3A {dimension_numbers = #tpu.dot_dimension_numbers<[1], [0], [0], [1], [0, 0, 1, 1], [], []>, precision = #tpu.contract_precision<fp32>, transpose_lhs_hint = false} : vector<1000x128xf32>, vector<128x128xf32>, vector<1000x128xf32> -> vector<1000x128xf32>
    %get3A_27 = arith.constant 0 : index
    %get3A_28 = arith.constant 0 : index
    %get3A_29 = vector.load %arg3[%get3A_27, %get3A_28] : memref<1000x128xf32, #tpu.memory_space<vmem>>, vector<1000x128xf32>
    %get3A_30 = arith.constant 0 : index
    %get3A_31 = arith.constant 0 : index
    %get3A_32 = vector.load %arg5[%get3A_30, %get3A_31] : memref<128x128xf32, #tpu.memory_space<vmem>>, vector<128x128xf32>
    %dot_general3A_33 = arith.constant dense<0.000000e+00> : vector<1000x128xf32>
    %dot_general3A_34 = tpu.matmul %get3A_29, %get3A_32, %dot_general3A_33 {dimension_numbers = #tpu.dot_dimension_numbers<[1], [0], [0], [1], [0, 0, 1, 1], [], []>, precision = #tpu.contract_precision<fp32>, transpose_lhs_hint = false} : vector<1000x128xf32>, vector<128x128xf32>, vector<1000x128xf32> -> vector<1000x128xf32>
    %add3A_35 = arith.addf %dot_general3A_26, %dot_general3A_34 : vector<1000x128xf32>
    %get3A_36 = arith.constant 0 : index
    %get3A_37 = arith.constant 0 : index
    %get3A_38 = vector.load %arg6[%get3A_36, %get3A_37] : memref<1x128xf32, #tpu.memory_space<vmem>>, vector<1x128xf32>
    %add3A_39 = vector.broadcast %get3A_38 : vector<1x128xf32> to vector<1000x128xf32>
    %add3A_40 = arith.addf %add3A_35, %add3A_39 : vector<1000x128xf32>
    %swap3A = arith.constant 0 : index
    %swap3A_41 = arith.constant 0 : index
    %swap3A_42 = vector.load %arg7[%swap3A, %swap3A_41] : memref<1000x128xf32, #tpu.memory_space<vmem>>, vector<1000x128xf32>
    tpu.vector_store %arg7[%swap3A, %swap3A_41], %add3A_40 {strides = array<i32>} : memref<1000x128xf32, #tpu.memory_space<vmem>>, vector<1000x128xf32>,
    return
  }
  func.func @transform_0(%arg0: i32) -> (i32, i32, i32) {
    %c0_i32 = arith.constant 0 : i32
    %c0_i32_0 = arith.constant 0 : i32
    %c0_i32_1 = arith.constant 0 : i32
    return %c0_i32, %arg0, %c0_i32_0 : i32, i32, i32
  }
  func.func @transform_1(%arg0: i32) -> (i32, i32, i32) {
    %c0_i32 = arith.constant 0 : i32
    %c0_i32_0 = arith.constant 0 : i32
    %c0_i32_1 = arith.constant 0 : i32
    return %c0_i32, %arg0, %c0_i32_0 : i32, i32, i32
  }
  func.func @transform_2(%arg0: i32) -> (i32, i32) {
    %c0_i32 = arith.constant 0 : i32
    %c0_i32_0 = arith.constant 0 : i32
    return %arg0, %c0_i32 : i32, i32
  }
  func.func @transform_3(%arg0: i32) -> (i32, i32) {
    %c0_i32 = arith.constant 0 : i32
    %c0_i32_0 = arith.constant 0 : i32
    %c0_i32_1 = arith.constant 0 : i32
    return %c0_i32, %c0_i32_0 : i32, i32
  }
  func.func @transform_4(%arg0: i32) -> (i32, i32) {
    %c0_i32 = arith.constant 0 : i32
    %c0_i32_0 = arith.constant 0 : i32
    %c0_i32_1 = arith.constant 0 : i32
    return %c0_i32, %c0_i32_0 : i32, i32
  }
  func.func @transform_5(%arg0: i32) -> (i32, i32) {
    %c0_i32 = arith.constant 0 : i32
    %c0_i32_0 = arith.constant 0 : i32
    %c0_i32_1 = arith.constant 0 : i32
    return %c0_i32, %c0_i32_0 : i32, i32
  }
  func.func @transform_6(%arg0: i32) -> (i32, i32) {
    %c0_i32 = arith.constant 0 : i32
    %c0_i32_0 = arith.constant 0 : i32
    return %arg0, %c0_i32 : i32, i32
  }
}

</mosaic_0001>

<sc_bundles>
// kernel: kernel.6.cloned.1.call-start
scs
__scs_entry_jumppad:
0x0: {  	(pc) =	sbr.rel $0x88, $3  }
0x1: {  	(tag) =	ssettag $0x0;
	lr =	simm.s32 $0x1  }
0x2: {  	[smem:$0x3F99] =	sst lr;
	_ =	strace $0xD0000000  }
0x3: {  	_ = 	snop  }
0x4: {  	_ = 	snop  }
0x5: {  	_ = 	snop  }
0x6: {  	_ = 	snop  }
0x7: {  	_ = 	snop  }
__scs_overlays_trampoline_lowered:
0x8: {  	[smem:$0x3FA8] =	sst s0  }
0x9: {  	[smem:$0x3FA9] =	sst s1  }
0xa: {  	[smem:$0x3FAA] =	sst s2  }
0xb: {  	[smem:$0x3FAB] =	sst s3  }
0xc: {  	[smem:$0x3FAC] =	sst s4  }
0xd: {  	[smem:$0x3FAD] =	sst s5  }
0xe: {  	[smem:$0x3FAE] =	sst s6  }
0xf: {  	[smem:$0x3FAF] =	sst s7  }
0x10: {  	[smem:$0x3FB0] =	sst s8  }
0x11: {  	[smem:$0x3FB1] =	sst s9;
	s0 =	simm.s32 @!p0 $0x0  }
0x12: {  	s1 =	sld [smem:$0x3F97];
	s0 =	simm.s32 @p0 $0x1  }
0x13: {  	[smem:$0x3FB2] =	sst s0;
	s0 =	simm.s32 @!p1 $0x0  }
0x14: {  	s2 =	sld [smem:$0x3F96];
	s0 =	simm.s32 @p1 $0x1  }
0x15: {  	[smem:$0x3FB3] =	sst s0;
	s0 =	simm.s32 @!p2 $0x0  }
0x16: {  	s3 =	sld [smem:$0x3FDB];
	s0 =	simm.s32 @p2 $0x1  }
0x17: {  	s4 =	simm.s32 $0x1BF5;
	[smem:$0x3FB5] =	sst s0  }
0x18: {  	s0 =	sld [smem:$0x3F98];
	_ =	swait.ge [sflag:s4], $0x0  }
0x19: {  	s7 =	sld [smem:$0x3F99]  }
0x1a: {  	s8 =	sadd.s32 $0xFFFFE003, lr  }
0x1b: {  	s9 =	sadd.s32 $0xFFFFFEF7, lr;
	s5 =	simm.s32 $0xFFFFFFFF;
	p2 =	slt.u32 s8, $0xFFFFF086  }
0x1c: {  	p1 =	slt.u32 s9, $0xF7A;
	s5 =	simm.s32 @!p2 $0x0  }
0x1d: {  	s5 =	simm.s32 @p1 $0x1;
	p0 =	seq.s32 s7, s2  }
0x1e: {  	s7 =	smul.u32 @!p0 $0xF7A, s2;
	p2 =	seq.s32 @!p0 s5, $0x0  }
0x1f: {  	s9 =	smul.u32 $0xF7A, s1;
	s8 =	simm.s32 @!p0 $0x1BF5;
	p2 =	por !p2, p0  }
0x20: {  	[sflag:s8] =	ssyncset.s32 @!p0 $0xFFFFF086;
	s6 =	sadd.s32 @!p0 s3, s7;
	s7 =	simm.s32 @!p0 $0x108  }
0x21: {  	s3 =	sadd.s32 s3, s9;
	s6 =	sadd.s32 @!p0 $0x88, s6;
	s7 =	simm.s32 @p2 $0x1082  }
0x22: {  	[simem:s7], [sflag:s8] =	dma.local @!p0 [hbm:s6], $0xF7A  }
0x23: {  	s9 =	sor.u32 $0xD0000000, s2;
	s6 =	simm.s32 $0x108;
	_ =	swait.ge @!p0 [sflag:s8], $0x0  }
0x24: {  	s3 =	sadd.s32 $0x88, s3;
	s6 =	simm.s32 @!p1 $0x1082;
	[sflag:s4] =	ssyncset.s32 $0xFFFFF086  }
0x25: {  	[simem:s6], [sflag:s4] =	dma.local [hbm:s3], $0xF7A  }
0x26: {  	[smem:$0x3F99] =	sst s1;
	(tag) =	ssettag s2;
	_ =	strace s9  }
0x27: {  	s1 =	sld [smem:$0x3FA9]  }
0x28: {  	s2 =	sld [smem:$0x3FAA]  }
0x29: {  	s4 =	sld [smem:$0x3FAC]  }
0x2a: {  	p0 =	seq.s32 s5, $0x0;
	s5 =	sld [smem:$0x3FAD]  }
0x2b: {  	s6 =	sld [smem:$0x3FAE]  }
0x2c: {  	s7 =	sld [smem:$0x3FAF]  }
0x2d: {  	s3 =	simm.s32 $0x108;
	s8 =	sld [smem:$0x3FB0]  }
0x2e: {  	s3 =	simm.s32 @!p0 $0x1082;
	s9 =	sld [smem:$0x3FB1]  }
0x2f: {  	lr =	sadd.s32 s0, s3;
	s0 =	sld [smem:$0x3FA8]  }
0x30: {  	s3 =	sld [smem:$0x3FAB]  }
0x31: {  	[smem:$0x3FB4] =	sst s10  }
0x32: {  	s10 =	sld [smem:$0x3FB2];
	_ =	sdelay $0x3  }
0x33: {  	p0 =	seq.s32 s10, $0x1;
	s10 =	sld [smem:$0x3FB4];
	_ =	sdelay $0x3  }
0x34: {  	[smem:$0x3FB4] =	sst s10  }
0x35: {  	s10 =	sld [smem:$0x3FB3];
	_ =	sdelay $0x3  }
0x36: {  	p1 =	seq.s32 s10, $0x1;
	s10 =	sld [smem:$0x3FB4];
	_ =	sdelay $0x3  }
0x37: {  	[smem:$0x3FB4] =	sst s10  }
0x38: {  	s10 =	sld [smem:$0x3FB5]  }
0x39: {  	_ = 	snop;
	(pc) =	sbr.ind lr, $3  }
0x3a: {  	_ = 	snop  }
0x3b: {  	_ = 	snop  }
0x3c: {  	p2 =	seq.s32 s10, $0x1;
	s10 =	sld [smem:$0x3FB4]  }
0x3d: {  	_ =	shalt  }
0x3e: {  	_ =	shalt  }
0x3f: {  	_ =	shalt  }
0x40: {  	_ =	shalt  }
0x41: {  	_ =	shalt  }
0x42: {  	_ =	shalt  }
0x43: {  	_ =	shalt  }
0x44: {  	_ =	shalt  }
0x45: {  	_ =	shalt  }
0x46: {  	_ =	shalt  }
0x47: {  	_ =	shalt  }
0x48: {  	_ =	shalt  }
0x49: {  	_ =	shalt  }
0x4a: {  	_ =	shalt  }
0x4b: {  	_ =	shalt  }
0x4c: {  	_ =	shalt  }
0x4d: {  	_ =	shalt  }
0x4e: {  	_ =	shalt  }
0x4f: {  	_ =	shalt  }
0x50: {  	_ =	shalt  }
0x51: {  	_ =	shalt  }
0x52: {  	_ =	shalt  }
0x53: {  	_ =	shalt  }
0x54: {  	_ =	shalt  }
0x55: {  	_ =	shalt  }
0x56: {  	_ =	shalt  }
0x57: {  	_ =	shalt  }
0x58: {  	_ =	shalt  }
0x59: {  	_ =	shalt  }
0x5a: {  	_ =	shalt  }
0x5b: {  	_ =	shalt  }
0x5c: {  	_ =	shalt  }
0x5d: {  	_ =	shalt  }
0x5e: {  	_ =	shalt  }
0x5f: {  	_ =	shalt  }
0x60: {  	_ =	shalt  }
0x61: {  	_ =	shalt  }
0x62: {  	_ =	shalt  }
0x63: {  	_ =	shalt  }
0x64: {  	_ =	shalt  }
0x65: {  	_ =	shalt  }
0x66: {  	_ =	shalt  }
0x67: {  	_ =	shalt  }
0x68: {  	_ =	shalt  }
0x69: {  	_ =	shalt  }
0x6a: {  	_ =	shalt  }
0x6b: {  	_ =	shalt  }
0x6c: {  	_ =	shalt  }
0x6d: {  	_ =	shalt  }
0x6e: {  	_ =	shalt  }
0x6f: {  	_ =	shalt  }
0x70: {  	_ =	shalt  }
0x71: {  	_ =	shalt  }
0x72: {  	_ =	shalt  }
0x73: {  	_ =	shalt  }
0x74: {  	_ =	shalt  }
0x75: {  	_ =	shalt  }
0x76: {  	_ =	shalt  }
0x77: {  	_ =	shalt  }
0x78: {  	_ =	shalt  }
0x79: {  	_ =	shalt  }
0x7a: {  	_ =	shalt  }
0x7b: {  	_ =	shalt  }
0x7c: {  	_ =	shalt  }
0x7d: {  	_ =	shalt  }
0x7e: {  	_ =	shalt  }
0x7f: {  	_ =	shalt  }
0x80: {  	_ =	shalt  }
0x81: {  	_ =	shalt  }
0x82: {  	_ =	shalt  }
0x83: {  	_ =	shalt  }
0x84: {  	_ =	shalt  }
0x85: {  	_ =	shalt  }
0x86: {  	_ =	shalt  }
0x87: {  	_ =	shalt  }
.Lfunc_end0:
.L_simem_size_0:
called_computation_lowered:
.L_overlay_start_0:
0x88: {  	s2 =	sld [smem:$0x3FD9]  }
0x89: {  	s3 =	sld [smem:$0x3FFE];
	_ =	sdelay $0x1  }
0x8a: {  	s1 =	srdreg.scid  }
0x8b: {  	s0 =	sand.u32 $0x1, s1  }
0x8c: {  	s17 =	sshll.u32 s0, $0xA;
	s2 =	sadd.s32 s3, s2  }
0x8d: {  	s2 =	sadd.s32 s2, s17  }
0x8e: {  	[smem:$0x3FC0] =	sst s2  }
0x8f: {  	_ = 	snop  }
0x90: {  	s2 =	sld [smem:$0x3FC9]  }
0x91: {  	s18 =	sld [smem:$0x3FD0];
	(tm) =	ssettm $0x1  }
0x92: {  	s4 =	sld [smem:$0x3FFB];
	_ =	sdelay $0x3  }
0x93: {  	_ =	strace s4  }
0x94: {  	s4 =	sld [smem:$0x3FFC];
	_ =	sdelay $0x3  }
0x95: {  	_ =	strace s4  }
0x96: {  	s4 =	sld [smem:$0x3FFD];
	_ =	sdelay $0x3  }
0x97: {  	_ =	strace s4  }
0x98: {  	_ =	strace $0x8FFFFFFF  }
0x99: {  	s19 =	sld [smem:$0x3FDB];
	_ =	sdelay $0x1  }
0x9a: {  	s5 =	simm.s32 $_scs_section_size  }
0x9b: {  	s6 =	simm.s32 $_size__tile_overlayer_lowered;
	s7 =	simm.s32 $_tile_overlayer_lowered  }
0x9c: {  	s22 =	simm.s32 $0x1BFF;
	s21 =	sshll.u32 s7, $0x1;
	s4 =	sadd.s32 s5, s19  }
0x9d: {  	s8 =	simm.s32 $0x0;
	s20 =	sshll.u32 s6, $0x1;
	s6 =	sadd.s32 s21, s4  }
0x9e: {  	[timem:s8], [sflag:s22] =	dma.local [hbm:s6], s20  }
0x9f: {  	_ =	swait.ge [sflag:s22], s20  }
0xa0: {  	s5 =	ssub.s32 $0x0, s20;
	[sflag:s22] =	ssyncset.done $0x0  }
0xa1: {  	[sflag:s22] =	ssyncadd.s32 s5;
	_ =	sdelay $0x1  }
0xa2: {  	s23 =	simm.s32 $0x1B8B  }
0xa3: {  	_ =	swait.ge [sflag:s23], $0x1  }
0xa4: {  	[sflag:s23] =	ssyncset.done $0x0  }
0xa5: {  	s25 =	simm.s32 $0x1B8E;
	s24 =	sld [smem:$0x3FFE];
	[sflag:s23] =	ssyncadd.s32 $0xFFFFFFFF  }
0xa6: {  	s26 =	simm.s32 $execute0_lowered;
	[smem:$0x3FD2] =	sst s25  }
0xa7: {  	s6 =	sshll.u32 s26, $0x1;
	_ =	strace $0x80000046;
	[dreg:$0x1] =	wrdreg $0xFFFFFFFF  }
0xa8: {  	s28 =	simm.s32 $_size_execute0_lowered;
	s4 =	sadd.s32 s4, s6;
	[dreg:$0x0] =	wrdreg $0x0  }
0xa9: {  	s6 =	sshll.u32 s28, $0x1;
	[dreg:$0x2] =	wrdreg s4  }
0xaa: {  	[dreg:$0x3] =	wrdreg s6  }
0xab: {  	[dreg:$0x4] =	wrdreg $0xC0  }
0xac: {  	_ =	task [dreg:s8], $0x5FFFF  }
0xad: {  	[dreg:$0x1] =	wrdreg $0xFFFFFFFF  }
0xae: {  	[dreg:$0x0] =	wrdreg $0x60  }
0xaf: {  	[dreg:$0x2] =	wrdreg s2  }
0xb0: {  	[dreg:$0x3] =	wrdreg s24  }
0xb1: {  	[dreg:$0x4] =	wrdreg s18  }
0xb2: {  	[dreg:$0x5] =	wrdreg $0x95A00  }
0xb3: {  	[dreg:$0x6] =	wrdreg $0x1D5A00  }
0xb4: {  	[dreg:$0x7] =	wrdreg $0x9  }
0xb5: {  	_ =	task.clear_ibuf [dreg:s8], $0x8FFFF;
	_ =	strace $0x90000046  }
0xb6: {  	s29 =	simm.s32 $0x9;
	_ =	strace $0x80000048  }
0xb7: {  	_ =	swait.ge [sflag:s29], $0x1  }
0xb8: {  	[sflag:s29] =	ssyncadd.s32 $0xFFFFFFFF  }
0xb9: {  	_ =	strace $0x90000048  }
0xba: {  	_ =	sfence  }
0xbb: {  	s30 =	sld [smem:$0x0];
	_ =	sdelay $0x2  }
0xbc: {  	s31 =	sshll.u32 s1, $0xD;
	s1 =	sshrl.u32 s1, $0x2  }
0xbd: {  	s3 =	sand.u32 $0x4000, s31;
	s1 =	sadd.s32 s1, s30  }
0xbe: {  	s0 =	sor.u32 s3, s0;
	s1 =	sshll.u32 s1, $0x11  }
0xbf: {  	s0 =	sor.u32 s1, s0  }
0xc0: {  	s0 =	sadd.s32 $0x8F2B, s0  }
0xc1: {  	[sflag:s0] =	ssyncadd.remote.s32 $0x1  }
0xc2: {  	_ =	sfence.sel $0xFFFF  }
0xc3: {  	[dreg:$0x0] =	wrdreg $0xFFFFFFFF;
	(pc) =	sbr.abs _section_cstart, $3  }
0xc4: {  	[dreg:$0x1] =	wrdreg $0xFFFFFFFF  }
0xc5: {  	_ =	task.clear_ibuf [dreg:s8], $0x2FFFF;
	_ =	strace $0x9FFFFFFF  }
0xc6: {  	(tm) =	ssettm $0x7FFFFFFF  }
0xc7: {  	_ =	shalt  }
tec
execute0_lowered:
.L_overlay_start_1:
0x0: {  	(tag) =	ssettag $0x1  }
0x1: {  	s1 =	rddreg [dreg:$0x0]  }
0x2: {  	s6 =	rddreg [dreg:$0x1]  }
0x3: {  	s2 =	srdreg.scid;
	s13 =	rddreg [dreg:$0x2]  }
0x4: {  	s0 =	stileid.u32;
	s3 =	rddreg [dreg:$0x3]  }
0x5: {  	s4 =	rddreg [dreg:$0x4];
	s5 =	simm.s32 $0x0;
	s8 =	smul.u32 $0x4E20, s0  }
0x6: {  	s18 =	simm.s32 $0x2;
	s19 =	simm.s32 $0x6DA0;
	s10 =	smul.u32 $0x14000, s0  }
0x7: {  	s20 =	simm.s32 $0x50;
	s21 =	simm.s32 $0xA0;
	s25 =	smul.u32 $0x50000, s0  }
0x8: {  	s22 =	simm.s32 $0x1;
	s7 =	sand.u32 $0x1, s2;
	s30 =	smul.u32 $0x2800, s0  }
0x9: {  	s23 =	simm.s32 $0x68A0;
	s2 =	rddreg [dreg:$0x5];
	s9 =	smul.u32 $0x2710, s7  }
0xa: {  	[smem:$0x7FF] =	sst s5;
	s11 =	smul.u32 $0x140000, s7;
	s26 =	ssub.s32 $0x2, s7  }
0xb: {  	_ =	strace $0x80000047;
	s17 =	smul.u32 $0x28000, s7;
	s28 =	sshrl.u32 s26, $0x1  }
0xc: {  	s29 =	sshrl.u32 s25, $0x2;
	s8 =	sadd.s32 s9, s8;
	s24 =	sadd.s32 s10, s11  }
0xd: {  	s14 =	ssub.s32 s26, s28;
	s15 =	sadd.s32 s29, s3;
	s31 =	sadd.s32 s30, s17  }
0xe: {  	s11 =	sadd.s32 s30, s4;
	s17 =	simm.s32 $0x28A0;
	s8 =	sshrl.u32 s8, $0x3  }
0xf: {  	s9 =	sshrl.u32 s24, $0x3;
	s7 =	sadd.s32 $0x4000, s15;
	s14 =	smax.u32 s14, $0x1  }
0x10: {  	s24 =	simm.s32 $0x0;
	s16 =	sadd.s32 s8, s6;
	s12 =	sadd.s32 s9, s6  }
0x11: {  	s6 =	sadd.s32 s10, s3;
	s8 =	sadd.s32 $0x8000, s15;
	s9 =	sadd.s32 $0xC000, s15  }
0x12: {  	s10 =	sadd.s32 $0x10000, s15;
	s15 =	sshrl.u32 s31, $0x3;
	s12 =	sadd.s32 $0x16200, s12  }
0x13: {  	v0 =	vimm.f32 $0.0e+00;
	v1 =	vimm.f32 $1.000000000e+00;
	s13 =	sadd.s32 s13, s15;
	s15 =	sadd.s32 $0x2600, s16;
	s16 =	sadd.s32 $0xC400, s16  }
.LBB2_1:
0x14: {  	s25 =	simm.s32 $0x0;
	s26 =	simm.s32 $0x200  }
.LBB2_2:
0x15: {  	p0 =	sne.s32 s26, $0xFE00;
	[tilespmem:s25+$0x2910] =	vst v0  }
0x16: {  	[tilespmem:s25+$0x28A0] =	vst v0  }
0x17: {  	[tilespmem:s25+$0x28B0] =	vst v0  }
.Ltmp0:
0x18: {  	[tilespmem:s25+$0x28C0] =	vst v0;
	(pc) =	sbr.rel @p0 .LBB2_2-.Ltmp0, $4  }
0x19: {  	[tilespmem:s25+$0x28D0] =	vst v0  }
0x1a: {  	[tilespmem:s25+$0x28E0] =	vst v0  }
0x1b: {  	[tilespmem:s25+$0x28F0] =	vst v0  }
0x1c: {  	[tilespmem:s25+$0x2900] =	vst v0;
	s25 =	sshra.s32 s26, $0x2;
	s26 =	sadd.s32 $0x200, s26  }
0x1d: {  	[tilespmem:s25+$0x2910] =	vst v0  }
0x1e: {  	[tilespmem:s25+$0x28A0] =	vst v0  }
0x1f: {  	[tilespmem:s25+$0x28B0] =	vst v0  }
0x20: {  	[tilespmem:s25+$0x28C0] =	vst v0  }
0x21: {  	[tilespmem:s25+$0x28D0] =	vst v0  }
0x22: {  	[tilespmem:s25+$0x28E0] =	vst v0  }
0x23: {  	[tilespmem:s25+$0x28F0] =	vst v0  }
0x24: {  	[tilespmem:s25+$0x2900] =	vst v0  }
0x25: {  	[spmem:s6] =	stream.linear.scatter [tilespmem:s17], [sflag:$0x2], $0x4000, $0x38;
	[tilespmem:$0x1FDA0] =	vst v63  }
0x26: {  	_ =	swait.ge [sflag:s18], $0x4000  }
0x27: {  	[sflag:s18] =	ssyncset.done $0x0  }
0x28: {  	[sflag:s18] =	ssyncadd.s32 $0xFFFFC000  }
0x29: {  	[spmem:s7] =	stream.linear.scatter [tilespmem:s17], [sflag:$0x2], $0x4000, $0x38;
	[tilespmem:$0x1FDA0] =	vst v63  }
0x2a: {  	_ =	swait.ge [sflag:s18], $0x4000  }
0x2b: {  	[sflag:s18] =	ssyncset.done $0x0  }
0x2c: {  	[sflag:s18] =	ssyncadd.s32 $0xFFFFC000  }
0x2d: {  	[spmem:s8] =	stream.linear.scatter [tilespmem:s17], [sflag:$0x2], $0x4000, $0x38;
	[tilespmem:$0x1FDA0] =	vst v63  }
0x2e: {  	_ =	swait.ge [sflag:s18], $0x4000  }
0x2f: {  	[sflag:s18] =	ssyncset.done $0x0  }
0x30: {  	[sflag:s18] =	ssyncadd.s32 $0xFFFFC000  }
0x31: {  	[spmem:s9] =	stream.linear.scatter [tilespmem:s17], [sflag:$0x2], $0x4000, $0x38;
	[tilespmem:$0x1FDA0] =	vst v63  }
0x32: {  	_ =	swait.ge [sflag:s18], $0x4000  }
0x33: {  	[sflag:s18] =	ssyncset.done $0x0  }
0x34: {  	[sflag:s18] =	ssyncadd.s32 $0xFFFFC000  }
0x35: {  	[spmem:s10] =	stream.linear.scatter [tilespmem:s17], [sflag:$0x2], $0x4000, $0x38;
	[tilespmem:$0x1FDA0] =	vst v63  }
0x36: {  	_ =	swait.ge [sflag:s18], $0x4000  }
0x37: {  	[sflag:s18] =	ssyncset.done $0x0  }
0x38: {  	s25 =	simm.s32 $0x40;
	s26 =	simm.s32 $0x0;
	[sflag:s18] =	ssyncadd.s32 $0xFFFFC000  }
.LBB2_4:
0x39: {  	p0 =	sne.s32 s25, $0x9FC0;
	[tilespmem:s26+$0x6DA0] =	vst v0;
	s26 =	smov.u32 s25;
	s25 =	sadd.s32 $0x40, s25  }
.Ltmp1:
0x3a: {  	(pc) =	sbr.rel @p0 .LBB2_4-.Ltmp1, $2  }
0x3b: {  	_ =	sdelay $0x2  }
0x3c: {  	s26 =	sshra.s32 s26, $0x2  }
0x3d: {  	[tilespmem:s26+$0x6DA0] =	vst v0  }
0x3e: {  	[spmem:s11] =	stream.linear.scatter [tilespmem:s19], [sflag:$0x2], $0x2800, $0x38;
	[tilespmem:$0x1FDA0] =	vst v63  }
0x3f: {  	_ =	swait.ge [sflag:s18], $0x2800  }
0x40: {  	[sflag:s18] =	ssyncset.done $0x0  }
0x41: {  	s25 =	simm.s32 $0x40;
	s26 =	simm.s32 $0x0;
	[sflag:s18] =	ssyncadd.s32 $0xFFFFD800  }
.LBB2_6:
0x42: {  	p0 =	sne.s32 s25, $0x13C0;
	[tilespmem:s26+$0x68A0] =	vst v1;
	s26 =	smov.u32 s25;
	s25 =	sadd.s32 $0x40, s25  }
.Ltmp2:
0x43: {  	(pc) =	sbr.rel @p0 .LBB2_6-.Ltmp2, $2  }
0x44: {  	_ =	sdelay $0x2  }
0x45: {  	s26 =	sshra.s32 s26, $0x2  }
0x46: {  	[tilespmem:s26+$0x68A0] =	vst v1  }
0x47: {  	s25 =	sadd.s32 $0x0, s16;
	[bflag:$0x0] =	sbarrier.arrive $0xFFFF  }
0x48: {  	[tilespmem:s5], [sflag:$0x2] =	stream.linear.gather [hbm4b:s25+s5], $0x50, $0x38;
	[tilespmem:$0x1FDA0] =	vst v63  }
0x49: {  	_ =	swait.ge [sflag:s18], $0x50  }
0x4a: {  	[sflag:s18] =	ssyncset.done $0x0  }
0x4b: {  	s31 =	sadd.s32 $0x0, s15;
	[sflag:s18] =	ssyncadd.s32 $0xFFFFFFB0  }
0x4c: {  	[tilespmem:s20], [sflag:$0x2] =	stream.linear.gather [hbm4b:s31+s5], $0x50, $0x38;
	[tilespmem:$0x1FDA0] =	vst v63  }
0x4d: {  	_ =	swait.ge [sflag:s18], $0x50  }
0x4e: {  	[sflag:s18] =	ssyncset.done $0x0  }
0x4f: {  	[sflag:s18] =	ssyncadd.s32 $0xFFFFFFB0  }
0x50: {  	[tilespmem:s21], [sflag:$0x1] =	stream.indirect.gather [hbm4b:s1+s20], $0x80, s5, s20, $0xb8;
	[tilespmem:$0x1FDA0] =	vst v63  }
0x51: {  	_ =	swait.ge [sflag:s22], $0x2800  }
0x52: {  	[sflag:s22] =	ssyncset.done $0x0  }
0x53: {  	[sflag:s22] =	ssyncadd.s32 $0xFFFFD800  }
0x54: {  	[spmem:s3] =	stream.indirect.scatter.add.f32 [tilespmem:s21], [sflag:$0x2], $0x80, s20, s20, $0xb8;
	[tilespmem:$0x1FDA0] =	vst v63  }
0x55: {  	_ =	swait.ge [sflag:s18], $0x2800  }
0x56: {  	[sflag:s18] =	ssyncset.done $0x0  }
0x57: {  	[sflag:s18] =	ssyncadd.s32 $0xFFFFD800  }
0x58: {  	[spmem:s4] =	stream.indirect.scatter.add.f32 [tilespmem:s23], [sflag:$0x2], $0x10, s20, s20, $0xb8;
	[tilespmem:$0x1FDA0] =	vst v63  }
0x59: {  	_ =	swait.ge [sflag:s18], $0x500  }
0x5a: {  	s26 =	simm.s32 $0x14;
	s25 =	simm.s32 $0xA;
	[sflag:s18] =	ssyncset.done $0x0  }
.LBB2_8:
0x5b: {  	s28 =	sadd.s32 s25, s16  }
0x5c: {  	[sflag:s18] =	ssyncadd.s32 $0xFFFFFB00;
	s29 =	smov.u32 s26;
	s30 =	sadd.s32 $0xA, s26  }
0x5d: {  	[tilespmem:s5], [sflag:$0x2] =	stream.linear.gather [hbm4b:s28+s5], $0x50, $0x38;
	[tilespmem:$0x1FDA0] =	vst v63  }
0x5e: {  	p0 =	sne.s32 s26, $0x4D8;
	_ =	swait.ge [sflag:s18], $0x50  }
0x5f: {  	[sflag:s18] =	ssyncset.done $0x0  }
0x60: {  	s26 =	sadd.s32 s25, s15;
	s25 =	smov.u32 s29;
	[sflag:s18] =	ssyncadd.s32 $0xFFFFFFB0  }
0x61: {  	[tilespmem:s20], [sflag:$0x2] =	stream.linear.gather [hbm4b:s26+s5], $0x50, $0x38;
	[tilespmem:$0x1FDA0] =	vst v63  }
0x62: {  	_ =	swait.ge [sflag:s18], $0x50  }
0x63: {  	[sflag:s18] =	ssyncset.done $0x0  }
0x64: {  	[sflag:s18] =	ssyncadd.s32 $0xFFFFFFB0  }
0x65: {  	[tilespmem:s21], [sflag:$0x1] =	stream.indirect.gather [hbm4b:s1+s20], $0x80, s5, s20, $0xb8;
	[tilespmem:$0x1FDA0] =	vst v63  }
0x66: {  	_ =	swait.ge [sflag:s22], $0x2800  }
0x67: {  	[sflag:s22] =	ssyncset.done $0x0  }
0x68: {  	[sflag:s22] =	ssyncadd.s32 $0xFFFFD800  }
0x69: {  	[spmem:s3] =	stream.indirect.scatter.add.f32 [tilespmem:s21], [sflag:$0x2], $0x80, s20, s20, $0xb8;
	[tilespmem:$0x1FDA0] =	vst v63  }
0x6a: {  	_ =	swait.ge [sflag:s18], $0x2800  }
.Ltmp3:
0x6b: {  	[sflag:s18] =	ssyncset.done $0x0;
	(pc) =	sbr.rel @p0 .LBB2_8-.Ltmp3, $4  }
0x6c: {  	[sflag:s18] =	ssyncadd.s32 $0xFFFFD800  }
0x6d: {  	[spmem:s4] =	stream.indirect.scatter.add.f32 [tilespmem:s23], [sflag:$0x2], $0x10, s20, s20, $0xb8;
	[tilespmem:$0x1FDA0] =	vst v63  }
0x6e: {  	_ =	swait.ge [sflag:s18], $0x500  }
0x6f: {  	s26 =	smov.u32 s30;
	[sflag:s18] =	ssyncset.done $0x0  }
0x70: {  	s26 =	sadd.s32 s25, s16;
	[sflag:s18] =	ssyncadd.s32 $0xFFFFFB00  }
0x71: {  	[tilespmem:s5], [sflag:$0x2] =	stream.linear.gather [hbm4b:s26+s5], $0x50, $0x38;
	[tilespmem:$0x1FDA0] =	vst v63  }
0x72: {  	_ =	swait.ge [sflag:s18], $0x50  }
0x73: {  	[sflag:s18] =	ssyncset.done $0x0  }
0x74: {  	s28 =	sadd.s32 s25, s15;
	[sflag:s18] =	ssyncadd.s32 $0xFFFFFFB0  }
0x75: {  	[tilespmem:s20], [sflag:$0x2] =	stream.linear.gather [hbm4b:s28+s5], $0x50, $0x38;
	[tilespmem:$0x1FDA0] =	vst v63  }
0x76: {  	_ =	swait.ge [sflag:s18], $0x50  }
0x77: {  	[sflag:s18] =	ssyncset.done $0x0  }
0x78: {  	[sflag:s18] =	ssyncadd.s32 $0xFFFFFFB0  }
0x79: {  	[tilespmem:s21], [sflag:$0x1] =	stream.indirect.gather [hbm4b:s1+s20], $0x80, s5, s20, $0xb8;
	[tilespmem:$0x1FDA0] =	vst v63  }
0x7a: {  	_ =	swait.ge [sflag:s22], $0x2800  }
0x7b: {  	[sflag:s22] =	ssyncset.done $0x0  }
0x7c: {  	[sflag:s22] =	ssyncadd.s32 $0xFFFFD800  }
0x7d: {  	[spmem:s3] =	stream.indirect.scatter.add.f32 [tilespmem:s21], [sflag:$0x2], $0x80, s20, s20, $0xb8;
	[tilespmem:$0x1FDA0] =	vst v63  }
0x7e: {  	_ =	swait.ge [sflag:s18], $0x2800  }
0x7f: {  	[sflag:s18] =	ssyncset.done $0x0  }
0x80: {  	[sflag:s18] =	ssyncadd.s32 $0xFFFFD800  }
0x81: {  	[spmem:s4] =	stream.indirect.scatter.add.f32 [tilespmem:s23], [sflag:$0x2], $0x10, s20, s20, $0xb8;
	[tilespmem:$0x1FDA0] =	vst v63  }
0x82: {  	_ =	swait.ge [sflag:s18], $0x500  }
0x83: {  	[sflag:s18] =	ssyncset.done $0x0  }
0x84: {  	s29 =	sshll.u32 s0, $0x6;
	[sflag:s18] =	ssyncadd.s32 $0xFFFFFB00  }
0x85: {  	s30 =	sshrl.u32 s6, $0x3;
	s25 =	sor.u32 $0x1C02, s29;
	[bflag:$0x0] =	sbarrier.arrive $0xFFFF  }
0x86: {  	[hbm:s12], [sflag:s25] =	dma.local [spmem:s30], $0x2800  }
0x87: {  	s24 =	sadd.s32 $0x1, s24;
	_ =	swait.ge [sflag:s18], $0x2800  }
0x88: {  	p0 =	sne.s32 s24, s14;
	[sflag:s18] =	ssyncset.done $0x0  }
.Ltmp4:
0x89: {  	s31 =	sshrl.u32 s11, $0x3;
	[sflag:s18] =	ssyncadd.s32 $0xFFFFD800;
	(pc) =	sbr.rel @p0 .LBB2_1-.Ltmp4, $4  }
0x8a: {  	[hbm:s13], [sflag:s25] =	dma.local [spmem:s31], $0x500  }
0x8b: {  	_ =	swait.ge [sflag:s18], $0x500  }
0x8c: {  	[sflag:s18] =	ssyncset.done $0x0  }
0x8d: {  	[sflag:s18] =	ssyncadd.s32 $0xFFFFFB00  }
0x8e: {  	_ =	sfence.sel $0x180000  }
0x8f: {  	[bflag:$0x0] =	sbarrier.arrive $0xFFFF  }
0x90: {  	p0 =	sne.s32 s0, $0x0;
	_ =	strace $0x90000047  }
0x91: {  	s0 =	sadd.s32 @!p0 $0x100000, s2;
	[bflag:$0x2] =	sbarrier.arrive $0xFFFF  }
0x92: {  	[sflag:s0] =	ssyncadd.tile.s32 @!p0 $0x1;
	_ =	shalt  }
.Lfunc_end2:
_tile_overlayer_lowered:
.L_overlay_start_2:
0x93: {  	(tag) =	ssettag $0x2  }
0x94: {  	s0 =	rddreg [dreg:$0x0];
	s2 =	stileid.u32  }
0x95: {  	s1 =	rddreg [dreg:$0x1];
	p0 =	sne.s32 s2, $0x0  }
0x96: {  	s3 =	rddreg [dreg:$0x2];
	[bflag:$0x3] =	sbarrier.arrive $0xFFFF;
	s2 =	simm.s32 @!p0 $0x1C02  }
0x97: {  	[timem:s3], [sflag:s2] =	dma.local @!p0 [hbm:s0], s1  }
0x98: {  	s0 =	simm.s32 @!p0 $0x2  }
0x99: {  	_ =	swait.ge @!p0 [sflag:s0], s1  }
0x9a: {  	s1 =	ssub.s32 @!p0 $0x0, s1;
	[sflag:s0] =	ssyncset.done @!p0 $0x0  }
0x9b: {  	[sflag:s0] =	ssyncadd.s32 @!p0 s1  }
0x9c: {  	[bflag:$0x3] =	sbarrier.arrive $0xFFFF  }
0x9d: {  	_ =	shalt  }

// kernel: kernel.9.cloned.1.call-start
scs
__scs_entry_jumppad:
0x0: {  	(pc) =	sbr.rel $0x88, $3  }
0x1: {  	(tag) =	ssettag $0x0;
	lr =	simm.s32 $0x1  }
0x2: {  	[smem:$0x3F99] =	sst lr;
	_ =	strace $0xD0000000  }
0x3: {  	_ = 	snop  }
0x4: {  	_ = 	snop  }
0x5: {  	_ = 	snop  }
0x6: {  	_ = 	snop  }
0x7: {  	_ = 	snop  }
__scs_overlays_trampoline_lowered:
0x8: {  	[smem:$0x3FA8] =	sst s0  }
0x9: {  	[smem:$0x3FA9] =	sst s1  }
0xa: {  	[smem:$0x3FAA] =	sst s2  }
0xb: {  	[smem:$0x3FAB] =	sst s3  }
0xc: {  	[smem:$0x3FAC] =	sst s4  }
0xd: {  	[smem:$0x3FAD] =	sst s5  }
0xe: {  	[smem:$0x3FAE] =	sst s6  }
0xf: {  	[smem:$0x3FAF] =	sst s7  }
0x10: {  	[smem:$0x3FB0] =	sst s8  }
0x11: {  	[smem:$0x3FB1] =	sst s9;
	s0 =	simm.s32 @!p0 $0x0  }
0x12: {  	s1 =	sld [smem:$0x3F97];
	s0 =	simm.s32 @p0 $0x1  }
0x13: {  	[smem:$0x3FB2] =	sst s0;
	s0 =	simm.s32 @!p1 $0x0  }
0x14: {  	s2 =	sld [smem:$0x3F96];
	s0 =	simm.s32 @p1 $0x1  }
0x15: {  	[smem:$0x3FB3] =	sst s0;
	s0 =	simm.s32 @!p2 $0x0  }
0x16: {  	s3 =	sld [smem:$0x3FDB];
	s0 =	simm.s32 @p2 $0x1  }
0x17: {  	s4 =	simm.s32 $0x1BF5;
	[smem:$0x3FB5] =	sst s0  }
0x18: {  	s0 =	sld [smem:$0x3F98];
	_ =	swait.ge [sflag:s4], $0x0  }
0x19: {  	s7 =	sld [smem:$0x3F99]  }
0x1a: {  	s8 =	sadd.s32 $0xFFFFE003, lr  }
0x1b: {  	s9 =	sadd.s32 $0xFFFFFEF7, lr;
	s5 =	simm.s32 $0xFFFFFFFF;
	p2 =	slt.u32 s8, $0xFFFFF086  }
0x1c: {  	p1 =	slt.u32 s9, $0xF7A;
	s5 =	simm.s32 @!p2 $0x0  }
0x1d: {  	s5 =	simm.s32 @p1 $0x1;
	p0 =	seq.s32 s7, s2  }
0x1e: {  	s7 =	smul.u32 @!p0 $0xF7A, s2;
	p2 =	seq.s32 @!p0 s5, $0x0  }
0x1f: {  	s9 =	smul.u32 $0xF7A, s1;
	s8 =	simm.s32 @!p0 $0x1BF5;
	p2 =	por !p2, p0  }
0x20: {  	[sflag:s8] =	ssyncset.s32 @!p0 $0xFFFFF086;
	s6 =	sadd.s32 @!p0 s3, s7;
	s7 =	simm.s32 @!p0 $0x108  }
0x21: {  	s3 =	sadd.s32 s3, s9;
	s6 =	sadd.s32 @!p0 $0x88, s6;
	s7 =	simm.s32 @p2 $0x1082  }
0x22: {  	[simem:s7], [sflag:s8] =	dma.local @!p0 [hbm:s6], $0xF7A  }
0x23: {  	s9 =	sor.u32 $0xD0000000, s2;
	s6 =	simm.s32 $0x108;
	_ =	swait.ge @!p0 [sflag:s8], $0x0  }
0x24: {  	s3 =	sadd.s32 $0x88, s3;
	s6 =	simm.s32 @!p1 $0x1082;
	[sflag:s4] =	ssyncset.s32 $0xFFFFF086  }
0x25: {  	[simem:s6], [sflag:s4] =	dma.local [hbm:s3], $0xF7A  }
0x26: {  	[smem:$0x3F99] =	sst s1;
	(tag) =	ssettag s2;
	_ =	strace s9  }
0x27: {  	s1 =	sld [smem:$0x3FA9]  }
0x28: {  	s2 =	sld [smem:$0x3FAA]  }
0x29: {  	s4 =	sld [smem:$0x3FAC]  }
0x2a: {  	p0 =	seq.s32 s5, $0x0;
	s5 =	sld [smem:$0x3FAD]  }
0x2b: {  	s6 =	sld [smem:$0x3FAE]  }
0x2c: {  	s7 =	sld [smem:$0x3FAF]  }
0x2d: {  	s3 =	simm.s32 $0x108;
	s8 =	sld [smem:$0x3FB0]  }
0x2e: {  	s3 =	simm.s32 @!p0 $0x1082;
	s9 =	sld [smem:$0x3FB1]  }
0x2f: {  	lr =	sadd.s32 s0, s3;
	s0 =	sld [smem:$0x3FA8]  }
0x30: {  	s3 =	sld [smem:$0x3FAB]  }
0x31: {  	[smem:$0x3FB4] =	sst s10  }
0x32: {  	s10 =	sld [smem:$0x3FB2];
	_ =	sdelay $0x3  }
0x33: {  	p0 =	seq.s32 s10, $0x1;
	s10 =	sld [smem:$0x3FB4];
	_ =	sdelay $0x3  }
0x34: {  	[smem:$0x3FB4] =	sst s10  }
0x35: {  	s10 =	sld [smem:$0x3FB3];
	_ =	sdelay $0x3  }
0x36: {  	p1 =	seq.s32 s10, $0x1;
	s10 =	sld [smem:$0x3FB4];
	_ =	sdelay $0x3  }
0x37: {  	[smem:$0x3FB4] =	sst s10  }
0x38: {  	s10 =	sld [smem:$0x3FB5]  }
0x39: {  	_ = 	snop;
	(pc) =	sbr.ind lr, $3  }
0x3a: {  	_ = 	snop  }
0x3b: {  	_ = 	snop  }
0x3c: {  	p2 =	seq.s32 s10, $0x1;
	s10 =	sld [smem:$0x3FB4]  }
0x3d: {  	_ =	shalt  }
0x3e: {  	_ =	shalt  }
0x3f: {  	_ =	shalt  }
0x40: {  	_ =	shalt  }
0x41: {  	_ =	shalt  }
0x42: {  	_ =	shalt  }
0x43: {  	_ =	shalt  }
0x44: {  	_ =	shalt  }
0x45: {  	_ =	shalt  }
0x46: {  	_ =	shalt  }
0x47: {  	_ =	shalt  }
0x48: {  	_ =	shalt  }
0x49: {  	_ =	shalt  }
0x4a: {  	_ =	shalt  }
0x4b: {  	_ =	shalt  }
0x4c: {  	_ =	shalt  }
0x4d: {  	_ =	shalt  }
0x4e: {  	_ =	shalt  }
0x4f: {  	_ =	shalt  }
0x50: {  	_ =	shalt  }
0x51: {  	_ =	shalt  }
0x52: {  	_ =	shalt  }
0x53: {  	_ =	shalt  }
0x54: {  	_ =	shalt  }
0x55: {  	_ =	shalt  }
0x56: {  	_ =	shalt  }
0x57: {  	_ =	shalt  }
0x58: {  	_ =	shalt  }
0x59: {  	_ =	shalt  }
0x5a: {  	_ =	shalt  }
0x5b: {  	_ =	shalt  }
0x5c: {  	_ =	shalt  }
0x5d: {  	_ =	shalt  }
0x5e: {  	_ =	shalt  }
0x5f: {  	_ =	shalt  }
0x60: {  	_ =	shalt  }
0x61: {  	_ =	shalt  }
0x62: {  	_ =	shalt  }
0x63: {  	_ =	shalt  }
0x64: {  	_ =	shalt  }
0x65: {  	_ =	shalt  }
0x66: {  	_ =	shalt  }
0x67: {  	_ =	shalt  }
0x68: {  	_ =	shalt  }
0x69: {  	_ =	shalt  }
0x6a: {  	_ =	shalt  }
0x6b: {  	_ =	shalt  }
0x6c: {  	_ =	shalt  }
0x6d: {  	_ =	shalt  }
0x6e: {  	_ =	shalt  }
0x6f: {  	_ =	shalt  }
0x70: {  	_ =	shalt  }
0x71: {  	_ =	shalt  }
0x72: {  	_ =	shalt  }
0x73: {  	_ =	shalt  }
0x74: {  	_ =	shalt  }
0x75: {  	_ =	shalt  }
0x76: {  	_ =	shalt  }
0x77: {  	_ =	shalt  }
0x78: {  	_ =	shalt  }
0x79: {  	_ =	shalt  }
0x7a: {  	_ =	shalt  }
0x7b: {  	_ =	shalt  }
0x7c: {  	_ =	shalt  }
0x7d: {  	_ =	shalt  }
0x7e: {  	_ =	shalt  }
0x7f: {  	_ =	shalt  }
0x80: {  	_ =	shalt  }
0x81: {  	_ =	shalt  }
0x82: {  	_ =	shalt  }
0x83: {  	_ =	shalt  }
0x84: {  	_ =	shalt  }
0x85: {  	_ =	shalt  }
0x86: {  	_ =	shalt  }
0x87: {  	_ =	shalt  }
.Lfunc_end0:
.L_simem_size_0:
called_computation.1_lowered:
.L_overlay_start_0:
0x88: {  	s2 =	sld [smem:$0x3FD9]  }
0x89: {  	s3 =	sld [smem:$0x3FFE];
	_ =	sdelay $0x1  }
0x8a: {  	s1 =	srdreg.scid  }
0x8b: {  	s0 =	sand.u32 $0x1, s1  }
0x8c: {  	s17 =	sshll.u32 s0, $0xA;
	s2 =	sadd.s32 s3, s2  }
0x8d: {  	s2 =	sadd.s32 s2, s17  }
0x8e: {  	[smem:$0x3FC0] =	sst s2  }
0x8f: {  	_ = 	snop  }
0x90: {  	s2 =	sld [smem:$0x3FD0];
	(tm) =	ssettm $0x1  }
0x91: {  	s18 =	sld [smem:$0x3FFB];
	_ =	sdelay $0x3  }
0x92: {  	_ =	strace s18  }
0x93: {  	s3 =	sld [smem:$0x3FFC];
	_ =	sdelay $0x3  }
0x94: {  	_ =	strace s3  }
0x95: {  	s3 =	sld [smem:$0x3FFD];
	_ =	sdelay $0x3  }
0x96: {  	_ =	strace s3  }
0x97: {  	_ =	strace $0x8FFFFFFF  }
0x98: {  	s19 =	sld [smem:$0x3FDB];
	_ =	sdelay $0x1  }
0x99: {  	s4 =	simm.s32 $_scs_section_size  }
0x9a: {  	s5 =	simm.s32 $_size__tile_overlayer_lowered;
	s6 =	simm.s32 $_tile_overlayer_lowered  }
0x9b: {  	s22 =	simm.s32 $0x1BFF;
	s21 =	sshll.u32 s6, $0x1;
	s3 =	sadd.s32 s4, s19  }
0x9c: {  	s7 =	simm.s32 $0x0;
	s20 =	sshll.u32 s5, $0x1;
	s5 =	sadd.s32 s21, s3  }
0x9d: {  	[timem:s7], [sflag:s22] =	dma.local [hbm:s5], s20  }
0x9e: {  	_ =	swait.ge [sflag:s22], s20  }
0x9f: {  	s4 =	ssub.s32 $0x0, s20;
	[sflag:s22] =	ssyncset.done $0x0  }
0xa0: {  	[sflag:s22] =	ssyncadd.s32 s4;
	_ =	sdelay $0x1  }
0xa1: {  	s23 =	simm.s32 $0x1B8B  }
0xa2: {  	_ =	swait.ge [sflag:s23], $0x1  }
0xa3: {  	[sflag:s23] =	ssyncset.done $0x0  }
0xa4: {  	s25 =	simm.s32 $0x1B8E;
	s24 =	sld [smem:$0x3FFE];
	[sflag:s23] =	ssyncadd.s32 $0xFFFFFFFF  }
0xa5: {  	s26 =	simm.s32 $execute0_lowered;
	[smem:$0x3FD2] =	sst s25  }
0xa6: {  	s5 =	sshll.u32 s26, $0x1;
	_ =	strace $0x80000049;
	[dreg:$0x1] =	wrdreg $0xFFFFFFFF  }
0xa7: {  	s28 =	simm.s32 $_size_execute0_lowered;
	s3 =	sadd.s32 s3, s5;
	[dreg:$0x0] =	wrdreg $0x0  }
0xa8: {  	s5 =	sshll.u32 s28, $0x1;
	[dreg:$0x2] =	wrdreg s3  }
0xa9: {  	[dreg:$0x3] =	wrdreg s5  }
0xaa: {  	[dreg:$0x4] =	wrdreg $0xC0  }
0xab: {  	_ =	task [dreg:s7], $0x5FFFF  }
0xac: {  	[dreg:$0x1] =	wrdreg $0xFFFFFFFF  }
0xad: {  	[dreg:$0x0] =	wrdreg $0x60  }
0xae: {  	[dreg:$0x2] =	wrdreg s2  }
0xaf: {  	[dreg:$0x3] =	wrdreg s24  }
0xb0: {  	[dreg:$0x4] =	wrdreg $0x68A00  }
0xb1: {  	[dreg:$0x5] =	wrdreg $0x9  }
0xb2: {  	_ =	task.clear_ibuf [dreg:s7], $0x6FFFF;
	_ =	strace $0x90000049  }
0xb3: {  	s29 =	simm.s32 $0x9;
	_ =	strace $0x8000004B  }
0xb4: {  	_ =	swait.ge [sflag:s29], $0x1  }
0xb5: {  	[sflag:s29] =	ssyncadd.s32 $0xFFFFFFFF  }
0xb6: {  	_ =	strace $0x9000004B  }
0xb7: {  	_ =	sfence  }
0xb8: {  	s30 =	sld [smem:$0x0];
	_ =	sdelay $0x2  }
0xb9: {  	s31 =	sshll.u32 s1, $0xD;
	s1 =	sshrl.u32 s1, $0x2  }
0xba: {  	s3 =	sand.u32 $0x4000, s31;
	s1 =	sadd.s32 s1, s30  }
0xbb: {  	s0 =	sor.u32 s3, s0;
	s1 =	sshll.u32 s1, $0x11  }
0xbc: {  	s0 =	sor.u32 s1, s0  }
0xbd: {  	s0 =	sadd.s32 $0x8F2B, s0  }
0xbe: {  	[sflag:s0] =	ssyncadd.remote.s32 $0x1  }
0xbf: {  	_ =	sfence.sel $0xFFFF  }
0xc0: {  	[dreg:$0x0] =	wrdreg $0xFFFFFFFF;
	(pc) =	sbr.abs _section_cstart, $3  }
0xc1: {  	[dreg:$0x1] =	wrdreg $0xFFFFFFFF  }
0xc2: {  	_ =	task.clear_ibuf [dreg:s7], $0x2FFFF;
	_ =	strace $0x9FFFFFFF  }
0xc3: {  	(tm) =	ssettm $0x7FFFFFFF  }
tec
execute0_lowered:
.L_overlay_start_1:
0x0: {  	(tag) =	ssettag $0x1  }
0x1: {  	s1 =	rddreg [dreg:$0x0];
	s2 =	srdreg.scid  }
0x2: {  	s0 =	stileid.u32;
	s5 =	rddreg [dreg:$0x1]  }
0x3: {  	s3 =	rddreg [dreg:$0x2];
	s4 =	simm.s32 $0x0;
	s14 =	simm.s32 $0x28A0  }
0x4: {  	s15 =	simm.s32 $0x2;
	s16 =	simm.s32 $0x50;
	s7 =	smul.u32 $0x4E20, s0  }
0x5: {  	s17 =	simm.s32 $0xA0;
	s18 =	simm.s32 $0x1;
	s9 =	smul.u32 $0x14000, s0  }
0x6: {  	s6 =	sand.u32 $0x1, s2;
	s2 =	rddreg [dreg:$0x3];
	s10 =	smul.u32 $0x50000, s0  }
0x7: {  	s20 =	simm.s32 $0x0;
	[smem:$0x7FF] =	sst s4;
	s8 =	smul.u32 $0x2710, s6  }
0x8: {  	s19 =	sshll.u32 s0, $0x6;
	s26 =	smul.u32 $0x140000, s6;
	_ =	strace $0x8000004A  }
0x9: {  	s6 =	ssub.s32 $0x2, s6;
	s19 =	sor.u32 $0x1C02, s19;
	s29 =	sshrl.u32 s10, $0x2  }
0xa: {  	s31 =	sshrl.u32 s6, $0x1;
	s7 =	sadd.s32 s8, s7;
	s28 =	sadd.s32 s9, s26  }
0xb: {  	s11 =	sadd.s32 s29, s3;
	s12 =	ssub.s32 s6, s31;
	s7 =	sshrl.u32 s7, $0x3  }
0xc: {  	s6 =	sadd.s32 $0x4000, s11;
	s13 =	sadd.s32 s7, s5;
	s7 =	sshrl.u32 s28, $0x3  }
0xd: {  	s8 =	sadd.s32 $0xC000, s11;
	s30 =	sadd.s32 s7, s5;
	s5 =	sadd.s32 s9, s3  }
0xe: {  	s7 =	sadd.s32 $0x8000, s11;
	s9 =	sadd.s32 $0x10000, s11;
	s11 =	smax.u32 s12, $0x1  }
0xf: {  	v0 =	vimm.f32 $0.0e+00;
	s12 =	sadd.s32 $0x2600, s13;
	s13 =	sadd.s32 $0xC400, s13;
	s10 =	sadd.s32 $0x16200, s30  }
.LBB2_1:
0x10: {  	s21 =	simm.s32 $0x0;
	s22 =	simm.s32 $0x200  }
.LBB2_2:
0x11: {  	p0 =	sne.s32 s22, $0xFE00;
	[tilespmem:s21+$0x2910] =	vst v0  }
0x12: {  	[tilespmem:s21+$0x28A0] =	vst v0  }
0x13: {  	[tilespmem:s21+$0x28B0] =	vst v0  }
.Ltmp0:
0x14: {  	[tilespmem:s21+$0x28C0] =	vst v0;
	(pc) =	sbr.rel @p0 .LBB2_2-.Ltmp0, $4  }
0x15: {  	[tilespmem:s21+$0x28D0] =	vst v0  }
0x16: {  	[tilespmem:s21+$0x28E0] =	vst v0  }
0x17: {  	[tilespmem:s21+$0x28F0] =	vst v0  }
0x18: {  	[tilespmem:s21+$0x2900] =	vst v0;
	s21 =	sshra.s32 s22, $0x2;
	s22 =	sadd.s32 $0x200, s22  }
0x19: {  	[tilespmem:s21+$0x2910] =	vst v0  }
0x1a: {  	[tilespmem:s21+$0x28A0] =	vst v0  }
0x1b: {  	[tilespmem:s21+$0x28B0] =	vst v0  }
0x1c: {  	[tilespmem:s21+$0x28C0] =	vst v0  }
0x1d: {  	[tilespmem:s21+$0x28D0] =	vst v0  }
0x1e: {  	[tilespmem:s21+$0x28E0] =	vst v0  }
0x1f: {  	[tilespmem:s21+$0x28F0] =	vst v0  }
0x20: {  	[tilespmem:s21+$0x2900] =	vst v0  }
0x21: {  	[spmem:s5] =	stream.linear.scatter [tilespmem:s14], [sflag:$0x2], $0x4000, $0x38;
	[tilespmem:$0x1A8A0] =	vst v63  }
0x22: {  	_ =	swait.ge [sflag:s15], $0x4000  }
0x23: {  	[sflag:s15] =	ssyncset.done $0x0  }
0x24: {  	[sflag:s15] =	ssyncadd.s32 $0xFFFFC000  }
0x25: {  	[spmem:s6] =	stream.linear.scatter [tilespmem:s14], [sflag:$0x2], $0x4000, $0x38;
	[tilespmem:$0x1A8A0] =	vst v63  }
0x26: {  	_ =	swait.ge [sflag:s15], $0x4000  }
0x27: {  	[sflag:s15] =	ssyncset.done $0x0  }
0x28: {  	[sflag:s15] =	ssyncadd.s32 $0xFFFFC000  }
0x29: {  	[spmem:s7] =	stream.linear.scatter [tilespmem:s14], [sflag:$0x2], $0x4000, $0x38;
	[tilespmem:$0x1A8A0] =	vst v63  }
0x2a: {  	_ =	swait.ge [sflag:s15], $0x4000  }
0x2b: {  	[sflag:s15] =	ssyncset.done $0x0  }
0x2c: {  	[sflag:s15] =	ssyncadd.s32 $0xFFFFC000  }
0x2d: {  	[spmem:s8] =	stream.linear.scatter [tilespmem:s14], [sflag:$0x2], $0x4000, $0x38;
	[tilespmem:$0x1A8A0] =	vst v63  }
0x2e: {  	_ =	swait.ge [sflag:s15], $0x4000  }
0x2f: {  	[sflag:s15] =	ssyncset.done $0x0  }
0x30: {  	[sflag:s15] =	ssyncadd.s32 $0xFFFFC000  }
0x31: {  	[spmem:s9] =	stream.linear.scatter [tilespmem:s14], [sflag:$0x2], $0x4000, $0x38;
	[tilespmem:$0x1A8A0] =	vst v63  }
0x32: {  	_ =	swait.ge [sflag:s15], $0x4000  }
0x33: {  	[sflag:s15] =	ssyncset.done $0x0  }
0x34: {  	[sflag:s15] =	ssyncadd.s32 $0xFFFFC000  }
0x35: {  	s30 =	sadd.s32 $0x0, s13;
	[bflag:$0x0] =	sbarrier.arrive $0xFFFF  }
0x36: {  	[tilespmem:s4], [sflag:$0x2] =	stream.linear.gather [hbm4b:s30+s4], $0x50, $0x38;
	[tilespmem:$0x1A8A0] =	vst v63  }
0x37: {  	_ =	swait.ge [sflag:s15], $0x50  }
0x38: {  	[sflag:s15] =	ssyncset.done $0x0  }
0x39: {  	s31 =	sadd.s32 $0x0, s12;
	[sflag:s15] =	ssyncadd.s32 $0xFFFFFFB0  }
0x3a: {  	[tilespmem:s16], [sflag:$0x2] =	stream.linear.gather [hbm4b:s31+s4], $0x50, $0x38;
	[tilespmem:$0x1A8A0] =	vst v63  }
0x3b: {  	_ =	swait.ge [sflag:s15], $0x50  }
0x3c: {  	[sflag:s15] =	ssyncset.done $0x0  }
0x3d: {  	[sflag:s15] =	ssyncadd.s32 $0xFFFFFFB0  }
0x3e: {  	[tilespmem:s17], [sflag:$0x1] =	stream.indirect.gather [hbm4b:s1+s16], $0x80, s4, s16, $0xb8;
	[tilespmem:$0x1A8A0] =	vst v63  }
0x3f: {  	_ =	swait.ge [sflag:s18], $0x2800  }
0x40: {  	[sflag:s18] =	ssyncset.done $0x0  }
0x41: {  	[sflag:s18] =	ssyncadd.s32 $0xFFFFD800  }
0x42: {  	[spmem:s3] =	stream.indirect.scatter.add.f32 [tilespmem:s17], [sflag:$0x2], $0x80, s16, s16, $0xb8;
	[tilespmem:$0x1A8A0] =	vst v63  }
0x43: {  	_ =	swait.ge [sflag:s15], $0x2800  }
0x44: {  	s21 =	simm.s32 $0xA;
	s22 =	simm.s32 $0x14;
	[sflag:s15] =	ssyncset.done $0x0  }
.LBB2_4:
0x45: {  	s23 =	sadd.s32 s21, s13  }
0x46: {  	[sflag:s15] =	ssyncadd.s32 $0xFFFFD800;
	s24 =	smov.u32 s22;
	s25 =	sadd.s32 $0xA, s22  }
0x47: {  	[tilespmem:s4], [sflag:$0x2] =	stream.linear.gather [hbm4b:s23+s4], $0x50, $0x38;
	[tilespmem:$0x1A8A0] =	vst v63  }
0x48: {  	p0 =	sne.s32 s22, $0x4D8;
	_ =	swait.ge [sflag:s15], $0x50  }
0x49: {  	[sflag:s15] =	ssyncset.done $0x0  }
0x4a: {  	s22 =	sadd.s32 s21, s12;
	s21 =	smov.u32 s24;
	[sflag:s15] =	ssyncadd.s32 $0xFFFFFFB0  }
0x4b: {  	[tilespmem:s16], [sflag:$0x2] =	stream.linear.gather [hbm4b:s22+s4], $0x50, $0x38;
	[tilespmem:$0x1A8A0] =	vst v63  }
0x4c: {  	_ =	swait.ge [sflag:s15], $0x50  }
0x4d: {  	[sflag:s15] =	ssyncset.done $0x0  }
0x4e: {  	[sflag:s15] =	ssyncadd.s32 $0xFFFFFFB0  }
0x4f: {  	[tilespmem:s17], [sflag:$0x1] =	stream.indirect.gather [hbm4b:s1+s16], $0x80, s4, s16, $0xb8;
	[tilespmem:$0x1A8A0] =	vst v63  }
0x50: {  	_ =	swait.ge [sflag:s18], $0x2800  }
.Ltmp1:
0x51: {  	[sflag:s18] =	ssyncset.done $0x0;
	(pc) =	sbr.rel @p0 .LBB2_4-.Ltmp1, $4  }
0x52: {  	[sflag:s18] =	ssyncadd.s32 $0xFFFFD800  }
0x53: {  	[spmem:s3] =	stream.indirect.scatter.add.f32 [tilespmem:s17], [sflag:$0x2], $0x80, s16, s16, $0xb8;
	[tilespmem:$0x1A8A0] =	vst v63  }
0x54: {  	_ =	swait.ge [sflag:s15], $0x2800  }
0x55: {  	s22 =	smov.u32 s25;
	[sflag:s15] =	ssyncset.done $0x0  }
0x56: {  	s22 =	sadd.s32 s21, s13;
	[sflag:s15] =	ssyncadd.s32 $0xFFFFD800  }
0x57: {  	[tilespmem:s4], [sflag:$0x2] =	stream.linear.gather [hbm4b:s22+s4], $0x50, $0x38;
	[tilespmem:$0x1A8A0] =	vst v63  }
0x58: {  	_ =	swait.ge [sflag:s15], $0x50  }
0x59: {  	[sflag:s15] =	ssyncset.done $0x0  }
0x5a: {  	s30 =	sadd.s32 s21, s12;
	[sflag:s15] =	ssyncadd.s32 $0xFFFFFFB0  }
0x5b: {  	[tilespmem:s16], [sflag:$0x2] =	stream.linear.gather [hbm4b:s30+s4], $0x50, $0x38;
	[tilespmem:$0x1A8A0] =	vst v63  }
0x5c: {  	_ =	swait.ge [sflag:s15], $0x50  }
0x5d: {  	[sflag:s15] =	ssyncset.done $0x0  }
0x5e: {  	[sflag:s15] =	ssyncadd.s32 $0xFFFFFFB0  }
0x5f: {  	[tilespmem:s17], [sflag:$0x1] =	stream.indirect.gather [hbm4b:s1+s16], $0x80, s4, s16, $0xb8;
	[tilespmem:$0x1A8A0] =	vst v63  }
0x60: {  	_ =	swait.ge [sflag:s18], $0x2800  }
0x61: {  	[sflag:s18] =	ssyncset.done $0x0  }
0x62: {  	[sflag:s18] =	ssyncadd.s32 $0xFFFFD800  }
0x63: {  	[spmem:s3] =	stream.indirect.scatter.add.f32 [tilespmem:s17], [sflag:$0x2], $0x80, s16, s16, $0xb8;
	[tilespmem:$0x1A8A0] =	vst v63  }
0x64: {  	_ =	swait.ge [sflag:s15], $0x2800  }
0x65: {  	s20 =	sadd.s32 $0x1, s20;
	[sflag:s15] =	ssyncset.done $0x0  }
0x66: {  	p0 =	sne.s32 s20, s11;
	[sflag:s15] =	ssyncadd.s32 $0xFFFFD800  }
.Ltmp2:
0x67: {  	s31 =	sshrl.u32 s5, $0x3;
	[bflag:$0x0] =	sbarrier.arrive $0xFFFF;
	(pc) =	sbr.rel @p0 .LBB2_1-.Ltmp2, $4  }
0x68: {  	[hbm:s10], [sflag:s19] =	dma.local [spmem:s31], $0x2800  }
0x69: {  	_ =	swait.ge [sflag:s15], $0x2800  }
0x6a: {  	[sflag:s15] =	ssyncset.done $0x0  }
0x6b: {  	[sflag:s15] =	ssyncadd.s32 $0xFFFFD800  }
0x6c: {  	_ =	sfence.sel $0x180000  }
0x6d: {  	[bflag:$0x0] =	sbarrier.arrive $0xFFFF  }
0x6e: {  	p0 =	sne.s32 s0, $0x0;
	_ =	strace $0x9000004A  }
0x6f: {  	s0 =	sadd.s32 @!p0 $0x100000, s2;
	[bflag:$0x2] =	sbarrier.arrive $0xFFFF  }
0x70: {  	[sflag:s0] =	ssyncadd.tile.s32 @!p0 $0x1;
	_ =	shalt  }
.Lfunc_end2:
_tile_overlayer_lowered:
.L_overlay_start_2:
0x71: {  	(tag) =	ssettag $0x2  }
0x72: {  	s0 =	rddreg [dreg:$0x0];
	s2 =	stileid.u32  }
0x73: {  	s1 =	rddreg [dreg:$0x1];
	p0 =	sne.s32 s2, $0x0  }
0x74: {  	s3 =	rddreg [dreg:$0x2];
	[bflag:$0x3] =	sbarrier.arrive $0xFFFF;
	s2 =	simm.s32 @!p0 $0x1C02  }
0x75: {  	[timem:s3], [sflag:s2] =	dma.local @!p0 [hbm:s0], s1  }
0x76: {  	s0 =	simm.s32 @!p0 $0x2  }
0x77: {  	_ =	swait.ge @!p0 [sflag:s0], s1  }
0x78: {  	s1 =	ssub.s32 @!p0 $0x0, s1;
	[sflag:s0] =	ssyncset.done @!p0 $0x0  }
0x79: {  	[sflag:s0] =	ssyncadd.s32 @!p0 s1  }
0x7a: {  	[bflag:$0x3] =	sbarrier.arrive $0xFFFF  }
0x7b: {  	_ =	shalt  }

</sc_bundles>
